<compile_context>
chip_gen: v7x
topology: tpu7x:2x2x1
jax: 0.10.2.dev20260603
libtpu: 0.0.44.dev20260713+nightly
codegen_flags: <defaults>
</compile_context>

<pallas_src>
import functools

import jax
import jax.numpy as jnp
from jax import lax
from jax.experimental import pallas as pl
from jax.experimental.pallas import tpu as pltpu
from jax.experimental.pallas import tpu_sc as plsc

_THRESHOLD = 0.5
_NEG_POS_RATIO = 3
_ALPHA = 1.0
_B, _N, _C = 64, 8732, 81
_N4 = _N * 4
_N2 = _N * 2
_FULL = _N // 16


def _loc_body(pd_hbm, td_hbm, cls_hbm, out_hbm, p_v, t_v, c_v, acc_v):
    wid = lax.axis_index("s") * 2 + lax.axis_index("c")
    lane = lax.iota(jnp.int32, 16)
    rep4 = lax.shift_right_logical(lane, 2)
    pltpu.sync_copy(cls_hbm.at[pl.ds(wid * _N2, _N2)], c_v)

    for rep in range(2):
        b = wid * 2 + rep
        pltpu.sync_copy(pd_hbm.at[b], p_v)
        pltpu.sync_copy(td_hbm.at[b], t_v)

        def half_step(i, a, rep=rep, ks=4, moff=0, ioff=0):
            m16 = c_v[pl.ds(rep * _N + i * 16 - moff, 16)]
            for k in range(ks):
                pv = p_v[pl.ds(i * 64 + k * 16, 16)]
                tv = t_v[pl.ds(i * 64 + k * 16, 16)]
                cv = jnp.take(m16, ioff + 4 * k + rep4)
                ad = jnp.abs(pv - tv)
                s1 = jnp.where(ad < 1.0, 0.5 * ad * ad, ad - 0.5)
                a = a + jnp.where(cv != 0, s1, 0.0)
            return a

        acc = lax.fori_loop(0, _FULL, half_step, jnp.zeros((16,), jnp.float32))
        acc = half_step(_FULL, acc, rep=rep, ks=3, moff=4, ioff=4)
        acc_v[...] = acc
        pltpu.sync_copy(acc_v, out_hbm.at[b])


def _loc_call():
    return functools.partial(
        pl.kernel,
        mesh=plsc.VectorSubcoreMesh(core_axis_name="c", subcore_axis_name="s"),
        compiler_params=pltpu.CompilerParams(use_tc_tiling_on_sc=True),
        out_type=jax.ShapeDtypeStruct((_B, 16), jnp.float32),
        scratch_types=[
            pltpu.VMEM((_N4,), jnp.float32),
            pltpu.VMEM((_N4,), jnp.float32),
            pltpu.VMEM((_N2,), jnp.int32),
            pltpu.VMEM((16,), jnp.float32),
        ],
    )(_loc_body)


def _conf_body(cls_ref, s_ref, loc_ref, out_ref, acc_ref):
    b = pl.program_id(0)

    @pl.when(b == 0)
    def _init():
        acc_ref[0] = 0.0
        acc_ref[1] = 0.0
        acc_ref[2] = 0.0

    s = s_ref[0].astype(jnp.bfloat16)
    e = jnp.exp(s)
    lse = jnp.log(jnp.sum(e, axis=1).astype(jnp.float32))

    cls = cls_ref[0, 0]
    clsb = cls.astype(jnp.int16)
    col = jax.lax.broadcasted_iota(jnp.int16, (_N, _C), 1)
    s_true = jnp.sum(
        jnp.where(col == clsb[:, None], s, jnp.bfloat16(0.0)), axis=1
    ).astype(jnp.float32)
    ce = lse - s_true

    pos = cls != 0
    posf = pos.astype(jnp.float32)
    npos = jnp.sum(posf)
    conf_pos = jnp.sum(ce * posf)
    ce_neg = jnp.where(pos, 0.0, ce)
    sum_neg = jnp.sum(ce_neg)

    acc_ref[0] = acc_ref[0] + conf_pos
    acc_ref[2] = acc_ref[2] + npos

    k_f = jnp.float32(_NEG_POS_RATIO) * npos
    n_neg = jnp.float32(_N) - npos
    fast = k_f >= n_neg

    @pl.when(fast)
    def _all_negatives():
        acc_ref[1] = acc_ref[1] + sum_neg

    @pl.when(jnp.logical_not(fast))
    def _topk():
        def step(i, rb):
            cand = rb | (jnp.int32(1) << (30 - i))
            t = jax.lax.bitcast_convert_type(cand, jnp.float32)
            cnt = jnp.sum(jnp.where(ce_neg >= t, 1.0, 0.0))
            return jnp.where(cnt >= k_f, cand, rb)

        rb = jax.lax.fori_loop(0, 31, step, jnp.int32(0))
        t = jax.lax.bitcast_convert_type(rb, jnp.float32)
        gt = ce_neg > t
        cnt_gt = jnp.sum(gt.astype(jnp.float32))
        sum_gt = jnp.sum(jnp.where(gt, ce_neg, 0.0))
        acc_ref[1] = acc_ref[1] + jnp.where(
            k_f > 0.0, sum_gt + (k_f - cnt_gt) * t, 0.0
        )

    @pl.when(b == _B - 1)
    def _finish():
        denom = jnp.maximum(acc_ref[2], 1.0)
        loc = jnp.sum(loc_ref[...])
        out_ref[0] = (acc_ref[0] + acc_ref[1]) / denom + _ALPHA * loc / denom


def _conf_call():
    return pl.pallas_call(
        _conf_body,
        grid=(_B,),
        in_specs=[
            pl.BlockSpec((1, 1, _N), lambda b: (b, 0, 0)),
            pl.BlockSpec((1, _N, _C), lambda b: (b, 0, 0)),
            pl.BlockSpec((_B, 16), lambda b: (0, 0)),
        ],
        out_specs=pl.BlockSpec(memory_space=pltpu.SMEM),
        out_shape=jax.ShapeDtypeStruct((1,), jnp.float32),
        scratch_shapes=[pltpu.SMEM((3,), jnp.float32)],
    )


def kernel(predicted_locs, predicted_scores, true_locs, true_classes):
    cls3 = true_classes.reshape(_B, 1, _N)
    pd_f = predicted_locs.reshape(_B, _N4)
    td_f = true_locs.reshape(_B, _N4)
    cls_flat = true_classes.reshape(_B * _N)
    loc_part = _loc_call()(pd_f, td_f, cls_flat)
    out = _conf_call()(cls3, predicted_scores, loc_part)
    return out[0]

# --- scband reference (transcript-rebuilt; emitter-appended) ---
"""Pipeline reference for scband-multi-box-loss-12506944766687 (READ-ONLY COPY).

The authoritative reference and input builder live on the scoring server;
editing this copy changes nothing except your own understanding.
"""

import jax, jax.numpy as jnp
import numpy as np

THRESHOLD = 0.5
NEG_POS_RATIO = 3
ALPHA = 1.0

B, N_PRIORS, N_CLASSES = 64, 8732, 81


def _smooth_l1(x):
    ax = jnp.abs(x)
    return jnp.where(ax < 1.0, 0.5 * ax * ax, ax - 0.5)


def setup_inputs(seed: int = 0) -> dict:
    key = jax.random.key(seed)
    k1, k2, k3, k4 = jax.random.split(key, 4)
    return {
        "predicted_locs": jax.random.normal(k1, (B, N_PRIORS, 4), dtype=jnp.float32),
        "predicted_scores": jax.random.normal(k2, (B, N_PRIORS, N_CLASSES), dtype=jnp.float32),
        "true_locs": jax.random.normal(k3, (B, N_PRIORS, 4), dtype=jnp.float32),
        "true_classes": jax.random.randint(k4, (B, N_PRIORS), 0, N_CLASSES, dtype=jnp.int32),
    }


def reference(predicted_locs, predicted_scores, true_locs, true_classes):
    b, n, c = predicted_scores.shape
    positive = (true_classes != 0)  # [B, N]; class 0 = background
    n_positives = positive.sum(axis=1)  # [B]

    # (1) Localization loss: smooth L1 over positive priors, mean over selected elements
    loc_elem = _smooth_l1(predicted_locs - true_locs)  # [B, N, 4]
    pos_mask = positive[..., None].astype(jnp.float32)
    loc_loss = (loc_elem * pos_mask).sum() / jnp.maximum(pos_mask.sum(), 1.0)

    # (2) Confidence loss: cross-entropy over all priors, with hard negative mining
    log_probs = jax.nn.log_softmax(predicted_scores, axis=-1)
    ce = -jnp.take_along_axis(log_probs, true_classes[..., None].astype(jnp.int32), axis=-1)[..., 0]  # [B, N]

    conf_loss_pos = (ce * positive.astype(jnp.float32)).sum()

    n_hard_negatives = NEG_POS_RATIO * n_positives  # [B]
    ce_neg = jnp.where(positive, 0.0, ce)  # zero out positives
    ce_neg_sorted = -jnp.sort(-ce_neg, axis=1)  # descending per row
    ranks = jnp.arange(n)[None, :]  # [1, N]
    hard_mask = (ranks < n_hard_negatives[:, None]).astype(jnp.float32)
    conf_loss_hard_neg = (ce_neg_sorted * hard_mask).sum()

    denom = jnp.maximum(n_positives.sum().astype(jnp.float32), 1.0)
    conf_loss = (conf_loss_hard_neg + conf_loss_pos) / denom

    return conf_loss + ALPHA * loc_loss

if __name__ == "__main__":
    import jax
    _d = setup_inputs()
    print(jax.jit(kernel)(*tuple(_d.values())))

</pallas_src>

<mosaic_0001>
#map = affine_map<(d0, d1) -> (0, 0)>
#map1 = affine_map<(d0, d1) -> (0)>
module attributes {stable_mosaic.version = 14 : i64} {
  func.func @_loc_body(%arg0: i32, %arg1: i32, %arg2: memref<64x34928xf32, #tpu.memory_space<hbm>>, %arg3: memref<64x34928xf32, #tpu.memory_space<hbm>>, %arg4: memref<558848xi32, #tpu.memory_space<hbm>>, %arg5: memref<64x16xf32, #tpu.memory_space<hbm>>, %arg6: memref<34928xf32, #tpu.memory_space<vmem>>, %arg7: memref<34928xf32, #tpu.memory_space<vmem>>, %arg8: memref<17464xi32, #tpu.memory_space<vmem>>, %arg9: memref<16xf32, #tpu.memory_space<vmem>>) attributes {dimension_semantics = [#tpu.dimension_semantics<core_parallel>, #tpu.dimension_semantics<subcore_parallel>], iteration_bounds = array<i64: 2, 16>, scalar_prefetch = 0 : i64, scratch_operands = 4 : i64, tpu.core_type = #tpu.core_type<sc_vector_subcore>, window_params = [{transform_indices = #map}, {transform_indices = #map}, {transform_indices = #map1}, {transform_indices = #map}]} {
    %mul3A = arith.constant 2 : i32
    %mul3A_0 = arith.muli %arg1, %mul3A : i32
    %add3A = arith.addi %mul3A_0, %arg0 : i32
    %iota3A = tpu.iota {dimensions = array<i32: 0>} : vector<16xi32>
    %shift_right_logical3A = arith.constant 2 : i32
    %shift_right_logical3A_1 = vector.broadcast %shift_right_logical3A : i32 to vector<16xi32>
    %shift_right_logical3A_2 = arith.shrui %iota3A, %shift_right_logical3A_1 : vector<16xi32>
    %mul3A_3 = arith.constant 17464 : i32
    %mul3A_4 = arith.muli %add3A, %mul3A_3 : i32
    "tpu.region"() ({
      %run_scoped3A = tpu.sem_alloc : memref<!tpu.dma_semaphore, #tpu.memory_space<semaphore_mem>>
      %dma_start3A = tpu.memref_slice %arg4[%mul3A_4] : memref<558848xi32, #tpu.memory_space<hbm>> -> memref<17464xi32, #tpu.memory_space<hbm>>
      %dma_start3A_266 = tpu.memref_slice %arg4[%mul3A_4] : memref<558848xi32, #tpu.memory_space<hbm>> -> memref<17464xi32, #tpu.memory_space<hbm>>
      tpu.enqueue_dma source(%dma_start3A_266 : memref<17464xi32, #tpu.memory_space<hbm>>) target(%arg8 : memref<17464xi32, #tpu.memory_space<vmem>>) target_semaphore(%run_scoped3A : memref<!tpu.dma_semaphore, #tpu.memory_space<semaphore_mem>>)
      %dma_wait3A = tpu.memref_slice %arg4[%mul3A_4] : memref<558848xi32, #tpu.memory_space<hbm>> -> memref<17464xi32, #tpu.memory_space<hbm>>
      %dma_wait3A_267 = tpu.memref_slice %arg4[%mul3A_4] : memref<558848xi32, #tpu.memory_space<hbm>> -> memref<17464xi32, #tpu.memory_space<hbm>>
      tpu.wait_dma2 semaphore(%run_scoped3A : memref<!tpu.dma_semaphore, #tpu.memory_space<semaphore_mem>>) src(%dma_wait3A_267 : memref<17464xi32, #tpu.memory_space<hbm>>) dst(%arg8 : memref<17464xi32, #tpu.memory_space<vmem>>)
      tpu.yield
    }) : () -> ()
    %mul3A_5 = arith.constant 2 : i32
    %mul3A_6 = arith.muli %add3A, %mul3A_5 : i32
    %add3A_7 = arith.constant 0 : i32
    %add3A_8 = arith.addi %mul3A_6, %add3A_7 : i32
    "tpu.region"() ({
      %run_scoped3A = tpu.sem_alloc : memref<!tpu.dma_semaphore, #tpu.memory_space<semaphore_mem>>
      %dma_start3A = arith.constant 0 : i32
      %dma_start3A_266 = tpu.memref_slice %arg2[%add3A_8, %dma_start3A] : memref<64x34928xf32, #tpu.memory_space<hbm>> -> memref<1x34928xf32, #tpu.memory_space<hbm>>
      %dma_start3A_267 = tpu.memref_squeeze %dma_start3A_266 : memref<1x34928xf32, #tpu.memory_space<hbm>> -> memref<34928xf32, #tpu.memory_space<hbm>>
      %dma_start3A_268 = arith.constant 0 : i32
      %dma_start3A_269 = tpu.memref_slice %arg2[%add3A_8, %dma_start3A_268] : memref<64x34928xf32, #tpu.memory_space<hbm>> -> memref<1x34928xf32, #tpu.memory_space<hbm>>
      %dma_start3A_270 = tpu.memref_squeeze %dma_start3A_269 : memref<1x34928xf32, #tpu.memory_space<hbm>> -> memref<34928xf32, #tpu.memory_space<hbm>>
      tpu.enqueue_dma source(%dma_start3A_270 : memref<34928xf32, #tpu.memory_space<hbm>>) target(%arg6 : memref<34928xf32, #tpu.memory_space<vmem>>) target_semaphore(%run_scoped3A : memref<!tpu.dma_semaphore, #tpu.memory_space<semaphore_mem>>)
      %dma_wait3A = arith.constant 0 : i32
      %dma_wait3A_271 = tpu.memref_slice %arg2[%add3A_8, %dma_wait3A] : memref<64x34928xf32, #tpu.memory_space<hbm>> -> memref<1x34928xf32, #tpu.memory_space<hbm>>
      %dma_wait3A_272 = tpu.memref_squeeze %dma_wait3A_271 : memref<1x34928xf32, #tpu.memory_space<hbm>> -> memref<34928xf32, #tpu.memory_space<hbm>>
      %dma_wait3A_273 = arith.constant 0 : i32
      %dma_wait3A_274 = tpu.memref_slice %arg2[%add3A_8, %dma_wait3A_273] : memref<64x34928xf32, #tpu.memory_space<hbm>> -> memref<1x34928xf32, #tpu.memory_space<hbm>>
      %dma_wait3A_275 = tpu.memref_squeeze %dma_wait3A_274 : memref<1x34928xf32, #tpu.memory_space<hbm>> -> memref<34928xf32, #tpu.memory_space<hbm>>
      tpu.wait_dma2 semaphore(%run_scoped3A : memref<!tpu.dma_semaphore, #tpu.memory_space<semaphore_mem>>) src(%dma_wait3A_275 : memref<34928xf32, #tpu.memory_space<hbm>>) dst(%arg6 : memref<34928xf32, #tpu.memory_space<vmem>>)
      tpu.yield
    }) : () -> ()
    "tpu.region"() ({
      %run_scoped3A = tpu.sem_alloc : memref<!tpu.dma_semaphore, #tpu.memory_space<semaphore_mem>>
      %dma_start3A = arith.constant 0 : i32
      %dma_start3A_266 = tpu.memref_slice %arg3[%add3A_8, %dma_start3A] : memref<64x34928xf32, #tpu.memory_space<hbm>> -> memref<1x34928xf32, #tpu.memory_space<hbm>>
      %dma_start3A_267 = tpu.memref_squeeze %dma_start3A_266 : memref<1x34928xf32, #tpu.memory_space<hbm>> -> memref<34928xf32, #tpu.memory_space<hbm>>
      %dma_start3A_268 = arith.constant 0 : i32
      %dma_start3A_269 = tpu.memref_slice %arg3[%add3A_8, %dma_start3A_268] : memref<64x34928xf32, #tpu.memory_space<hbm>> -> memref<1x34928xf32, #tpu.memory_space<hbm>>
      %dma_start3A_270 = tpu.memref_squeeze %dma_start3A_269 : memref<1x34928xf32, #tpu.memory_space<hbm>> -> memref<34928xf32, #tpu.memory_space<hbm>>
      tpu.enqueue_dma source(%dma_start3A_270 : memref<34928xf32, #tpu.memory_space<hbm>>) target(%arg7 : memref<34928xf32, #tpu.memory_space<vmem>>) target_semaphore(%run_scoped3A : memref<!tpu.dma_semaphore, #tpu.memory_space<semaphore_mem>>)
      %dma_wait3A = arith.constant 0 : i32
      %dma_wait3A_271 = tpu.memref_slice %arg3[%add3A_8, %dma_wait3A] : memref<64x34928xf32, #tpu.memory_space<hbm>> -> memref<1x34928xf32, #tpu.memory_space<hbm>>
      %dma_wait3A_272 = tpu.memref_squeeze %dma_wait3A_271 : memref<1x34928xf32, #tpu.memory_space<hbm>> -> memref<34928xf32, #tpu.memory_space<hbm>>
      %dma_wait3A_273 = arith.constant 0 : i32
      %dma_wait3A_274 = tpu.memref_slice %arg3[%add3A_8, %dma_wait3A_273] : memref<64x34928xf32, #tpu.memory_space<hbm>> -> memref<1x34928xf32, #tpu.memory_space<hbm>>
      %dma_wait3A_275 = tpu.memref_squeeze %dma_wait3A_274 : memref<1x34928xf32, #tpu.memory_space<hbm>> -> memref<34928xf32, #tpu.memory_space<hbm>>
      tpu.wait_dma2 semaphore(%run_scoped3A : memref<!tpu.dma_semaphore, #tpu.memory_space<semaphore_mem>>) src(%dma_wait3A_275 : memref<34928xf32, #tpu.memory_space<hbm>>) dst(%arg7 : memref<34928xf32, #tpu.memory_space<vmem>>)
      tpu.yield
    }) : () -> ()
    %broadcast_in_dim3A = arith.constant 0.000000e+00 : f32
    %broadcast_in_dim3A_9 = vector.broadcast %broadcast_in_dim3A : f32 to vector<16xf32>
    %scan3A = arith.constant 0 : i32
    %scan3A_10 = arith.constant 545 : i32
    %scan3A_11 = arith.addi %scan3A, %scan3A_10 : i32
    %scan3A_12 = arith.constant 1 : i32
    %scan3A_13 = scf.for %scan3A_266 = %scan3A to %scan3A_11 step %scan3A_12 iter_args(%scan3A_267 = %broadcast_in_dim3A_9) -> (vector<16xf32>)  : i32 {
      %mul3A_268 = arith.constant 16 : i32
      %mul3A_269 = arith.muli %scan3A_266, %mul3A_268 : i32
      %add3A_270 = arith.constant 0 : i32
      %add3A_271 = arith.addi %add3A_270, %mul3A_269 : i32
      %sub3A_272 = arith.constant 0 : i32
      %sub3A_273 = arith.subi %add3A_271, %sub3A_272 : i32
      %get3A_274 = arith.index_cast %sub3A_273 : i32 to index
      %get3A_275 = tpu.vector_load %arg8[%get3A_274] {strides = array<i32>} : memref<17464xi32, #tpu.memory_space<vmem>>, vector<16xi32>,
      %get3A_276 = vector.shape_cast %get3A_275 : vector<16xi32> to vector<16xi32>
      %mul3A_277 = arith.constant 64 : i32
      %mul3A_278 = arith.muli %scan3A_266, %mul3A_277 : i32
      %add3A_279 = arith.constant 0 : i32
      %add3A_280 = arith.addi %mul3A_278, %add3A_279 : i32
      %get3A_281 = arith.index_cast %add3A_280 : i32 to index
      %get3A_282 = tpu.vector_load %arg6[%get3A_281] {strides = array<i32>} : memref<34928xf32, #tpu.memory_space<vmem>>, vector<16xf32>,
      %get3A_283 = vector.shape_cast %get3A_282 : vector<16xf32> to vector<16xf32>
      %mul3A_284 = arith.constant 64 : i32
      %mul3A_285 = arith.muli %scan3A_266, %mul3A_284 : i32
      %add3A_286 = arith.constant 0 : i32
      %add3A_287 = arith.addi %mul3A_285, %add3A_286 : i32
      %get3A_288 = arith.index_cast %add3A_287 : i32 to index
      %get3A_289 = tpu.vector_load %arg7[%get3A_288] {strides = array<i32>} : memref<34928xf32, #tpu.memory_space<vmem>>, vector<16xf32>,
      %get3A_290 = vector.shape_cast %get3A_289 : vector<16xf32> to vector<16xf32>
      %add3A_291 = arith.constant 0 : i32
      %add3A_292 = vector.broadcast %add3A_291 : i32 to vector<16xi32>
      %add3A_293 = arith.addi %add3A_292, %shift_right_logical3A_2 : vector<16xi32>
      %lt3A_294 = arith.constant 0 : i32
      %lt3A_295 = vector.broadcast %lt3A_294 : i32 to vector<16xi32>
      %lt3A_296 = arith.cmpi slt, %add3A_293, %lt3A_295 : vector<16xi32>
      %add3A_297 = arith.constant 16 : i32
      %add3A_298 = vector.broadcast %add3A_297 : i32 to vector<16xi32>
      %add3A_299 = arith.addi %add3A_293, %add3A_298 : vector<16xi32>
      %select_n3A_300 = arith.select %lt3A_296, %add3A_299, %add3A_293 : vector<16xi1>, vector<16xi32>
      %broadcast_in_dim3A_301 = vector.shape_cast %select_n3A_300 : vector<16xi32> to vector<16x1xi32>
      %gather3A_302 = vector.shape_cast %broadcast_in_dim3A_301 : vector<16x1xi32> to vector<16xi32>
      %gather3A_303 = tpu.dynamic_gather %get3A_276[%gather3A_302] in [0] : vector<16xi32>, vector<16xi32> -> vector<16xi32>
      %sub3A_304 = arith.subf %get3A_283, %get3A_290 : vector<16xf32>
      %abs3A_305 = math.absf %sub3A_304 : vector<16xf32>
      %lt3A_306 = arith.constant 1.000000e+00 : f32
      %lt3A_307 = vector.broadcast %lt3A_306 : f32 to vector<16xf32>
      %lt3A_308 = arith.cmpf olt, %abs3A_305, %lt3A_307 : vector<16xf32>
      %mul3A_309 = arith.constant 5.000000e-01 : f32
      %mul3A_310 = vector.broadcast %mul3A_309 : f32 to vector<16xf32>
      %mul3A_311 = arith.mulf %mul3A_310, %abs3A_305 : vector<16xf32>
      %mul3A_312 = arith.mulf %mul3A_311, %abs3A_305 : vector<16xf32>
      %sub3A_313 = arith.constant 5.000000e-01 : f32
      %sub3A_314 = vector.broadcast %sub3A_313 : f32 to vector<16xf32>
      %sub3A_315 = arith.subf %abs3A_305, %sub3A_314 : vector<16xf32>
      %select_n3A_316 = arith.select %lt3A_308, %mul3A_312, %sub3A_315 : vector<16xi1>, vector<16xf32>
      %ne3A_317 = arith.constant 0 : i32
      %ne3A_318 = vector.broadcast %ne3A_317 : i32 to vector<16xi32>
      %ne3A_319 = arith.cmpi ne, %gather3A_303, %ne3A_318 : vector<16xi32>
      %jit3A_320 = arith.constant 0.000000e+00 : f32
      %broadcast_in_dim3A_321 = vector.broadcast %jit3A_320 : f32 to vector<16xf32>
      %select_n3A_322 = arith.select %ne3A_319, %select_n3A_316, %broadcast_in_dim3A_321 : vector<16xi1>, vector<16xf32>
      %add3A_323 = arith.addf %scan3A_267, %select_n3A_322 : vector<16xf32>
      %mul3A_324 = arith.constant 64 : i32
      %mul3A_325 = arith.muli %scan3A_266, %mul3A_324 : i32
      %add3A_326 = arith.constant 16 : i32
      %add3A_327 = arith.addi %mul3A_325, %add3A_326 : i32
      %get3A_328 = arith.index_cast %add3A_327 : i32 to index
      %get3A_329 = tpu.vector_load %arg6[%get3A_328] {strides = array<i32>} : memref<34928xf32, #tpu.memory_space<vmem>>, vector<16xf32>,
      %get3A_330 = vector.shape_cast %get3A_329 : vector<16xf32> to vector<16xf32>
      %mul3A_331 = arith.constant 64 : i32
      %mul3A_332 = arith.muli %scan3A_266, %mul3A_331 : i32
      %add3A_333 = arith.constant 16 : i32
      %add3A_334 = arith.addi %mul3A_332, %add3A_333 : i32
      %get3A_335 = arith.index_cast %add3A_334 : i32 to index
      %get3A_336 = tpu.vector_load %arg7[%get3A_335] {strides = array<i32>} : memref<34928xf32, #tpu.memory_space<vmem>>, vector<16xf32>,
      %get3A_337 = vector.shape_cast %get3A_336 : vector<16xf32> to vector<16xf32>
      %add3A_338 = arith.constant 4 : i32
      %add3A_339 = vector.broadcast %add3A_338 : i32 to vector<16xi32>
      %add3A_340 = arith.addi %add3A_339, %shift_right_logical3A_2 : vector<16xi32>
      %lt3A_341 = arith.constant 0 : i32
      %lt3A_342 = vector.broadcast %lt3A_341 : i32 to vector<16xi32>
      %lt3A_343 = arith.cmpi slt, %add3A_340, %lt3A_342 : vector<16xi32>
      %add3A_344 = arith.constant 16 : i32
      %add3A_345 = vector.broadcast %add3A_344 : i32 to vector<16xi32>
      %add3A_346 = arith.addi %add3A_340, %add3A_345 : vector<16xi32>
      %select_n3A_347 = arith.select %lt3A_343, %add3A_346, %add3A_340 : vector<16xi1>, vector<16xi32>
      %broadcast_in_dim3A_348 = vector.shape_cast %select_n3A_347 : vector<16xi32> to vector<16x1xi32>
      %gather3A_349 = vector.shape_cast %broadcast_in_dim3A_348 : vector<16x1xi32> to vector<16xi32>
      %gather3A_350 = tpu.dynamic_gather %get3A_276[%gather3A_349] in [0] : vector<16xi32>, vector<16xi32> -> vector<16xi32>
      %sub3A_351 = arith.subf %get3A_330, %get3A_337 : vector<16xf32>
      %abs3A_352 = math.absf %sub3A_351 : vector<16xf32>
      %lt3A_353 = arith.constant 1.000000e+00 : f32
      %lt3A_354 = vector.broadcast %lt3A_353 : f32 to vector<16xf32>
      %lt3A_355 = arith.cmpf olt, %abs3A_352, %lt3A_354 : vector<16xf32>
      %mul3A_356 = arith.constant 5.000000e-01 : f32
      %mul3A_357 = vector.broadcast %mul3A_356 : f32 to vector<16xf32>
      %mul3A_358 = arith.mulf %mul3A_357, %abs3A_352 : vector<16xf32>
      %mul3A_359 = arith.mulf %mul3A_358, %abs3A_352 : vector<16xf32>
      %sub3A_360 = arith.constant 5.000000e-01 : f32
      %sub3A_361 = vector.broadcast %sub3A_360 : f32 to vector<16xf32>
      %sub3A_362 = arith.subf %abs3A_352, %sub3A_361 : vector<16xf32>
      %select_n3A_363 = arith.select %lt3A_355, %mul3A_359, %sub3A_362 : vector<16xi1>, vector<16xf32>
      %ne3A_364 = arith.constant 0 : i32
      %ne3A_365 = vector.broadcast %ne3A_364 : i32 to vector<16xi32>
      %ne3A_366 = arith.cmpi ne, %gather3A_350, %ne3A_365 : vector<16xi32>
      %jit3A_367 = arith.constant 0.000000e+00 : f32
      %broadcast_in_dim3A_368 = vector.broadcast %jit3A_367 : f32 to vector<16xf32>
      %select_n3A_369 = arith.select %ne3A_366, %select_n3A_363, %broadcast_in_dim3A_368 : vector<16xi1>, vector<16xf32>
      %add3A_370 = arith.addf %add3A_323, %select_n3A_369 : vector<16xf32>
      %mul3A_371 = arith.constant 64 : i32
      %mul3A_372 = arith.muli %scan3A_266, %mul3A_371 : i32
      %add3A_373 = arith.constant 32 : i32
      %add3A_374 = arith.addi %mul3A_372, %add3A_373 : i32
      %get3A_375 = arith.index_cast %add3A_374 : i32 to index
      %get3A_376 = tpu.vector_load %arg6[%get3A_375] {strides = array<i32>} : memref<34928xf32, #tpu.memory_space<vmem>>, vector<16xf32>,
      %get3A_377 = vector.shape_cast %get3A_376 : vector<16xf32> to vector<16xf32>
      %mul3A_378 = arith.constant 64 : i32
      %mul3A_379 = arith.muli %scan3A_266, %mul3A_378 : i32
      %add3A_380 = arith.constant 32 : i32
      %add3A_381 = arith.addi %mul3A_379, %add3A_380 : i32
      %get3A_382 = arith.index_cast %add3A_381 : i32 to index
      %get3A_383 = tpu.vector_load %arg7[%get3A_382] {strides = array<i32>} : memref<34928xf32, #tpu.memory_space<vmem>>, vector<16xf32>,
      %get3A_384 = vector.shape_cast %get3A_383 : vector<16xf32> to vector<16xf32>
      %add3A_385 = arith.constant 8 : i32
      %add3A_386 = vector.broadcast %add3A_385 : i32 to vector<16xi32>
      %add3A_387 = arith.addi %add3A_386, %shift_right_logical3A_2 : vector<16xi32>
      %lt3A_388 = arith.constant 0 : i32
      %lt3A_389 = vector.broadcast %lt3A_388 : i32 to vector<16xi32>
      %lt3A_390 = arith.cmpi slt, %add3A_387, %lt3A_389 : vector<16xi32>
      %add3A_391 = arith.constant 16 : i32
      %add3A_392 = vector.broadcast %add3A_391 : i32 to vector<16xi32>
      %add3A_393 = arith.addi %add3A_387, %add3A_392 : vector<16xi32>
      %select_n3A_394 = arith.select %lt3A_390, %add3A_393, %add3A_387 : vector<16xi1>, vector<16xi32>
      %broadcast_in_dim3A_395 = vector.shape_cast %select_n3A_394 : vector<16xi32> to vector<16x1xi32>
      %gather3A_396 = vector.shape_cast %broadcast_in_dim3A_395 : vector<16x1xi32> to vector<16xi32>
      %gather3A_397 = tpu.dynamic_gather %get3A_276[%gather3A_396] in [0] : vector<16xi32>, vector<16xi32> -> vector<16xi32>
      %sub3A_398 = arith.subf %get3A_377, %get3A_384 : vector<16xf32>
      %abs3A_399 = math.absf %sub3A_398 : vector<16xf32>
      %lt3A_400 = arith.constant 1.000000e+00 : f32
      %lt3A_401 = vector.broadcast %lt3A_400 : f32 to vector<16xf32>
      %lt3A_402 = arith.cmpf olt, %abs3A_399, %lt3A_401 : vector<16xf32>
      %mul3A_403 = arith.constant 5.000000e-01 : f32
      %mul3A_404 = vector.broadcast %mul3A_403 : f32 to vector<16xf32>
      %mul3A_405 = arith.mulf %mul3A_404, %abs3A_399 : vector<16xf32>
      %mul3A_406 = arith.mulf %mul3A_405, %abs3A_399 : vector<16xf32>
      %sub3A_407 = arith.constant 5.000000e-01 : f32
      %sub3A_408 = vector.broadcast %sub3A_407 : f32 to vector<16xf32>
      %sub3A_409 = arith.subf %abs3A_399, %sub3A_408 : vector<16xf32>
      %select_n3A_410 = arith.select %lt3A_402, %mul3A_406, %sub3A_409 : vector<16xi1>, vector<16xf32>
      %ne3A_411 = arith.constant 0 : i32
      %ne3A_412 = vector.broadcast %ne3A_411 : i32 to vector<16xi32>
      %ne3A_413 = arith.cmpi ne, %gather3A_397, %ne3A_412 : vector<16xi32>
      %jit3A_414 = arith.constant 0.000000e+00 : f32
      %broadcast_in_dim3A_415 = vector.broadcast %jit3A_414 : f32 to vector<16xf32>
      %select_n3A_416 = arith.select %ne3A_413, %select_n3A_410, %broadcast_in_dim3A_415 : vector<16xi1>, vector<16xf32>
      %add3A_417 = arith.addf %add3A_370, %select_n3A_416 : vector<16xf32>
      %mul3A_418 = arith.constant 64 : i32
      %mul3A_419 = arith.muli %scan3A_266, %mul3A_418 : i32
      %add3A_420 = arith.constant 48 : i32
      %add3A_421 = arith.addi %mul3A_419, %add3A_420 : i32
      %get3A_422 = arith.index_cast %add3A_421 : i32 to index
      %get3A_423 = tpu.vector_load %arg6[%get3A_422] {strides = array<i32>} : memref<34928xf32, #tpu.memory_space<vmem>>, vector<16xf32>,
      %get3A_424 = vector.shape_cast %get3A_423 : vector<16xf32> to vector<16xf32>
      %mul3A_425 = arith.constant 64 : i32
      %mul3A_426 = arith.muli %scan3A_266, %mul3A_425 : i32
      %add3A_427 = arith.constant 48 : i32
      %add3A_428 = arith.addi %mul3A_426, %add3A_427 : i32
      %get3A_429 = arith.index_cast %add3A_428 : i32 to index
      %get3A_430 = tpu.vector_load %arg7[%get3A_429] {strides = array<i32>} : memref<34928xf32, #tpu.memory_space<vmem>>, vector<16xf32>,
      %get3A_431 = vector.shape_cast %get3A_430 : vector<16xf32> to vector<16xf32>
      %add3A_432 = arith.constant 12 : i32
      %add3A_433 = vector.broadcast %add3A_432 : i32 to vector<16xi32>
      %add3A_434 = arith.addi %add3A_433, %shift_right_logical3A_2 : vector<16xi32>
      %lt3A_435 = arith.constant 0 : i32
      %lt3A_436 = vector.broadcast %lt3A_435 : i32 to vector<16xi32>
      %lt3A_437 = arith.cmpi slt, %add3A_434, %lt3A_436 : vector<16xi32>
      %add3A_438 = arith.constant 16 : i32
      %add3A_439 = vector.broadcast %add3A_438 : i32 to vector<16xi32>
      %add3A_440 = arith.addi %add3A_434, %add3A_439 : vector<16xi32>
      %select_n3A_441 = arith.select %lt3A_437, %add3A_440, %add3A_434 : vector<16xi1>, vector<16xi32>
      %broadcast_in_dim3A_442 = vector.shape_cast %select_n3A_441 : vector<16xi32> to vector<16x1xi32>
      %gather3A_443 = vector.shape_cast %broadcast_in_dim3A_442 : vector<16x1xi32> to vector<16xi32>
      %gather3A_444 = tpu.dynamic_gather %get3A_276[%gather3A_443] in [0] : vector<16xi32>, vector<16xi32> -> vector<16xi32>
      %sub3A_445 = arith.subf %get3A_424, %get3A_431 : vector<16xf32>
      %abs3A_446 = math.absf %sub3A_445 : vector<16xf32>
      %lt3A_447 = arith.constant 1.000000e+00 : f32
      %lt3A_448 = vector.broadcast %lt3A_447 : f32 to vector<16xf32>
      %lt3A_449 = arith.cmpf olt, %abs3A_446, %lt3A_448 : vector<16xf32>
      %mul3A_450 = arith.constant 5.000000e-01 : f32
      %mul3A_451 = vector.broadcast %mul3A_450 : f32 to vector<16xf32>
      %mul3A_452 = arith.mulf %mul3A_451, %abs3A_446 : vector<16xf32>
      %mul3A_453 = arith.mulf %mul3A_452, %abs3A_446 : vector<16xf32>
      %sub3A_454 = arith.constant 5.000000e-01 : f32
      %sub3A_455 = vector.broadcast %sub3A_454 : f32 to vector<16xf32>
      %sub3A_456 = arith.subf %abs3A_446, %sub3A_455 : vector<16xf32>
      %select_n3A_457 = arith.select %lt3A_449, %mul3A_453, %sub3A_456 : vector<16xi1>, vector<16xf32>
      %ne3A_458 = arith.constant 0 : i32
      %ne3A_459 = vector.broadcast %ne3A_458 : i32 to vector<16xi32>
      %ne3A_460 = arith.cmpi ne, %gather3A_444, %ne3A_459 : vector<16xi32>
      %jit3A_461 = arith.constant 0.000000e+00 : f32
      %broadcast_in_dim3A_462 = vector.broadcast %jit3A_461 : f32 to vector<16xf32>
      %select_n3A_463 = arith.select %ne3A_460, %select_n3A_457, %broadcast_in_dim3A_462 : vector<16xi1>, vector<16xf32>
      %add3A_464 = arith.addf %add3A_417, %select_n3A_463 : vector<16xf32>
      scf.yield %add3A_464 : vector<16xf32>
    }
    %scan3A_14 = arith.constant 545 : i32
    %get3A = arith.constant 8716 : index
    %get3A_15 = tpu.vector_load %arg8[%get3A] {strides = array<i32>} : memref<17464xi32, #tpu.memory_space<vmem>>, vector<16xi32>,
    %get3A_16 = vector.shape_cast %get3A_15 : vector<16xi32> to vector<16xi32>
    %get3A_17 = arith.constant 34880 : index
    %get3A_18 = tpu.vector_load %arg6[%get3A_17] {strides = array<i32>} : memref<34928xf32, #tpu.memory_space<vmem>>, vector<16xf32>,
    %get3A_19 = vector.shape_cast %get3A_18 : vector<16xf32> to vector<16xf32>
    %get3A_20 = arith.constant 34880 : index
    %get3A_21 = tpu.vector_load %arg7[%get3A_20] {strides = array<i32>} : memref<34928xf32, #tpu.memory_space<vmem>>, vector<16xf32>,
    %get3A_22 = vector.shape_cast %get3A_21 : vector<16xf32> to vector<16xf32>
    %add3A_23 = arith.constant 4 : i32
    %add3A_24 = vector.broadcast %add3A_23 : i32 to vector<16xi32>
    %add3A_25 = arith.addi %add3A_24, %shift_right_logical3A_2 : vector<16xi32>
    %lt3A = arith.constant 0 : i32
    %lt3A_26 = vector.broadcast %lt3A : i32 to vector<16xi32>
    %lt3A_27 = arith.cmpi slt, %add3A_25, %lt3A_26 : vector<16xi32>
    %add3A_28 = arith.constant 16 : i32
    %add3A_29 = vector.broadcast %add3A_28 : i32 to vector<16xi32>
    %add3A_30 = arith.addi %add3A_25, %add3A_29 : vector<16xi32>
    %select_n3A = arith.select %lt3A_27, %add3A_30, %add3A_25 : vector<16xi1>, vector<16xi32>
    %broadcast_in_dim3A_31 = vector.shape_cast %select_n3A : vector<16xi32> to vector<16x1xi32>
    %gather3A = vector.shape_cast %broadcast_in_dim3A_31 : vector<16x1xi32> to vector<16xi32>
    %gather3A_32 = tpu.dynamic_gather %get3A_16[%gather3A] in [0] : vector<16xi32>, vector<16xi32> -> vector<16xi32>
    %sub3A = arith.subf %get3A_19, %get3A_22 : vector<16xf32>
    %abs3A = math.absf %sub3A : vector<16xf32>
    %lt3A_33 = arith.constant 1.000000e+00 : f32
    %lt3A_34 = vector.broadcast %lt3A_33 : f32 to vector<16xf32>
    %lt3A_35 = arith.cmpf olt, %abs3A, %lt3A_34 : vector<16xf32>
    %mul3A_36 = arith.constant 5.000000e-01 : f32
    %mul3A_37 = vector.broadcast %mul3A_36 : f32 to vector<16xf32>
    %mul3A_38 = arith.mulf %mul3A_37, %abs3A : vector<16xf32>
    %mul3A_39 = arith.mulf %mul3A_38, %abs3A : vector<16xf32>
    %sub3A_40 = arith.constant 5.000000e-01 : f32
    %sub3A_41 = vector.broadcast %sub3A_40 : f32 to vector<16xf32>
    %sub3A_42 = arith.subf %abs3A, %sub3A_41 : vector<16xf32>
    %select_n3A_43 = arith.select %lt3A_35, %mul3A_39, %sub3A_42 : vector<16xi1>, vector<16xf32>
    %ne3A = arith.constant 0 : i32
    %ne3A_44 = vector.broadcast %ne3A : i32 to vector<16xi32>
    %ne3A_45 = arith.cmpi ne, %gather3A_32, %ne3A_44 : vector<16xi32>
    %jit3A = arith.constant 0.000000e+00 : f32
    %broadcast_in_dim3A_46 = vector.broadcast %jit3A : f32 to vector<16xf32>
    %select_n3A_47 = arith.select %ne3A_45, %select_n3A_43, %broadcast_in_dim3A_46 : vector<16xi1>, vector<16xf32>
    %add3A_48 = arith.addf %scan3A_13, %select_n3A_47 : vector<16xf32>
    %get3A_49 = arith.constant 34896 : index
    %get3A_50 = tpu.vector_load %arg6[%get3A_49] {strides = array<i32>} : memref<34928xf32, #tpu.memory_space<vmem>>, vector<16xf32>,
    %get3A_51 = vector.shape_cast %get3A_50 : vector<16xf32> to vector<16xf32>
    %get3A_52 = arith.constant 34896 : index
    %get3A_53 = tpu.vector_load %arg7[%get3A_52] {strides = array<i32>} : memref<34928xf32, #tpu.memory_space<vmem>>, vector<16xf32>,
    %get3A_54 = vector.shape_cast %get3A_53 : vector<16xf32> to vector<16xf32>
    %add3A_55 = arith.constant 8 : i32
    %add3A_56 = vector.broadcast %add3A_55 : i32 to vector<16xi32>
    %add3A_57 = arith.addi %add3A_56, %shift_right_logical3A_2 : vector<16xi32>
    %lt3A_58 = arith.constant 0 : i32
    %lt3A_59 = vector.broadcast %lt3A_58 : i32 to vector<16xi32>
    %lt3A_60 = arith.cmpi slt, %add3A_57, %lt3A_59 : vector<16xi32>
    %add3A_61 = arith.constant 16 : i32
    %add3A_62 = vector.broadcast %add3A_61 : i32 to vector<16xi32>
    %add3A_63 = arith.addi %add3A_57, %add3A_62 : vector<16xi32>
    %select_n3A_64 = arith.select %lt3A_60, %add3A_63, %add3A_57 : vector<16xi1>, vector<16xi32>
    %broadcast_in_dim3A_65 = vector.shape_cast %select_n3A_64 : vector<16xi32> to vector<16x1xi32>
    %gather3A_66 = vector.shape_cast %broadcast_in_dim3A_65 : vector<16x1xi32> to vector<16xi32>
    %gather3A_67 = tpu.dynamic_gather %get3A_16[%gather3A_66] in [0] : vector<16xi32>, vector<16xi32> -> vector<16xi32>
    %sub3A_68 = arith.subf %get3A_51, %get3A_54 : vector<16xf32>
    %abs3A_69 = math.absf %sub3A_68 : vector<16xf32>
    %lt3A_70 = arith.constant 1.000000e+00 : f32
    %lt3A_71 = vector.broadcast %lt3A_70 : f32 to vector<16xf32>
    %lt3A_72 = arith.cmpf olt, %abs3A_69, %lt3A_71 : vector<16xf32>
    %mul3A_73 = arith.constant 5.000000e-01 : f32
    %mul3A_74 = vector.broadcast %mul3A_73 : f32 to vector<16xf32>
    %mul3A_75 = arith.mulf %mul3A_74, %abs3A_69 : vector<16xf32>
    %mul3A_76 = arith.mulf %mul3A_75, %abs3A_69 : vector<16xf32>
    %sub3A_77 = arith.constant 5.000000e-01 : f32
    %sub3A_78 = vector.broadcast %sub3A_77 : f32 to vector<16xf32>
    %sub3A_79 = arith.subf %abs3A_69, %sub3A_78 : vector<16xf32>
    %select_n3A_80 = arith.select %lt3A_72, %mul3A_76, %sub3A_79 : vector<16xi1>, vector<16xf32>
    %ne3A_81 = arith.constant 0 : i32
    %ne3A_82 = vector.broadcast %ne3A_81 : i32 to vector<16xi32>
    %ne3A_83 = arith.cmpi ne, %gather3A_67, %ne3A_82 : vector<16xi32>
    %jit3A_84 = arith.constant 0.000000e+00 : f32
    %broadcast_in_dim3A_85 = vector.broadcast %jit3A_84 : f32 to vector<16xf32>
    %select_n3A_86 = arith.select %ne3A_83, %select_n3A_80, %broadcast_in_dim3A_85 : vector<16xi1>, vector<16xf32>
    %add3A_87 = arith.addf %add3A_48, %select_n3A_86 : vector<16xf32>
    %get3A_88 = arith.constant 34912 : index
    %get3A_89 = tpu.vector_load %arg6[%get3A_88] {strides = array<i32>} : memref<34928xf32, #tpu.memory_space<vmem>>, vector<16xf32>,
    %get3A_90 = vector.shape_cast %get3A_89 : vector<16xf32> to vector<16xf32>
    %get3A_91 = arith.constant 34912 : index
    %get3A_92 = tpu.vector_load %arg7[%get3A_91] {strides = array<i32>} : memref<34928xf32, #tpu.memory_space<vmem>>, vector<16xf32>,
    %get3A_93 = vector.shape_cast %get3A_92 : vector<16xf32> to vector<16xf32>
    %add3A_94 = arith.constant 12 : i32
    %add3A_95 = vector.broadcast %add3A_94 : i32 to vector<16xi32>
    %add3A_96 = arith.addi %add3A_95, %shift_right_logical3A_2 : vector<16xi32>
    %lt3A_97 = arith.constant 0 : i32
    %lt3A_98 = vector.broadcast %lt3A_97 : i32 to vector<16xi32>
    %lt3A_99 = arith.cmpi slt, %add3A_96, %lt3A_98 : vector<16xi32>
    %add3A_100 = arith.constant 16 : i32
    %add3A_101 = vector.broadcast %add3A_100 : i32 to vector<16xi32>
    %add3A_102 = arith.addi %add3A_96, %add3A_101 : vector<16xi32>
    %select_n3A_103 = arith.select %lt3A_99, %add3A_102, %add3A_96 : vector<16xi1>, vector<16xi32>
    %broadcast_in_dim3A_104 = vector.shape_cast %select_n3A_103 : vector<16xi32> to vector<16x1xi32>
    %gather3A_105 = vector.shape_cast %broadcast_in_dim3A_104 : vector<16x1xi32> to vector<16xi32>
    %gather3A_106 = tpu.dynamic_gather %get3A_16[%gather3A_105] in [0] : vector<16xi32>, vector<16xi32> -> vector<16xi32>
    %sub3A_107 = arith.subf %get3A_90, %get3A_93 : vector<16xf32>
    %abs3A_108 = math.absf %sub3A_107 : vector<16xf32>
    %lt3A_109 = arith.constant 1.000000e+00 : f32
    %lt3A_110 = vector.broadcast %lt3A_109 : f32 to vector<16xf32>
    %lt3A_111 = arith.cmpf olt, %abs3A_108, %lt3A_110 : vector<16xf32>
    %mul3A_112 = arith.constant 5.000000e-01 : f32
    %mul3A_113 = vector.broadcast %mul3A_112 : f32 to vector<16xf32>
    %mul3A_114 = arith.mulf %mul3A_113, %abs3A_108 : vector<16xf32>
    %mul3A_115 = arith.mulf %mul3A_114, %abs3A_108 : vector<16xf32>
    %sub3A_116 = arith.constant 5.000000e-01 : f32
    %sub3A_117 = vector.broadcast %sub3A_116 : f32 to vector<16xf32>
    %sub3A_118 = arith.subf %abs3A_108, %sub3A_117 : vector<16xf32>
    %select_n3A_119 = arith.select %lt3A_111, %mul3A_115, %sub3A_118 : vector<16xi1>, vector<16xf32>
    %ne3A_120 = arith.constant 0 : i32
    %ne3A_121 = vector.broadcast %ne3A_120 : i32 to vector<16xi32>
    %ne3A_122 = arith.cmpi ne, %gather3A_106, %ne3A_121 : vector<16xi32>
    %jit3A_123 = arith.constant 0.000000e+00 : f32
    %broadcast_in_dim3A_124 = vector.broadcast %jit3A_123 : f32 to vector<16xf32>
    %select_n3A_125 = arith.select %ne3A_122, %select_n3A_119, %broadcast_in_dim3A_124 : vector<16xi1>, vector<16xf32>
    %add3A_126 = arith.addf %add3A_87, %select_n3A_125 : vector<16xf32>
    %swap3A = arith.constant 0 : index
    %swap3A_127 = tpu.vector_load %arg9[%swap3A] {strides = array<i32>} : memref<16xf32, #tpu.memory_space<vmem>>, vector<16xf32>,
    %swap3A_128 = vector.shape_cast %swap3A_127 : vector<16xf32> to vector<16xf32>
    %swap3A_129 = vector.shape_cast %add3A_126 : vector<16xf32> to vector<16xf32>
    tpu.vector_store %arg9[%swap3A], %swap3A_129 {strides = array<i32>} : memref<16xf32, #tpu.memory_space<vmem>>, vector<16xf32>,
    "tpu.region"() ({
      %run_scoped3A = tpu.sem_alloc : memref<!tpu.dma_semaphore, #tpu.memory_space<semaphore_mem>>
      %dma_start3A = arith.constant 0 : i32
      %dma_start3A_266 = tpu.memref_slice %arg5[%add3A_8, %dma_start3A] : memref<64x16xf32, #tpu.memory_space<hbm>> -> memref<1x16xf32, #tpu.memory_space<hbm>>
      %dma_start3A_267 = tpu.memref_squeeze %dma_start3A_266 : memref<1x16xf32, #tpu.memory_space<hbm>> -> memref<16xf32, #tpu.memory_space<hbm>>
      %dma_start3A_268 = arith.constant 0 : i32
      %dma_start3A_269 = tpu.memref_slice %arg5[%add3A_8, %dma_start3A_268] : memref<64x16xf32, #tpu.memory_space<hbm>> -> memref<1x16xf32, #tpu.memory_space<hbm>>
      %dma_start3A_270 = tpu.memref_squeeze %dma_start3A_269 : memref<1x16xf32, #tpu.memory_space<hbm>> -> memref<16xf32, #tpu.memory_space<hbm>>
      tpu.enqueue_dma source(%arg9 : memref<16xf32, #tpu.memory_space<vmem>>) target(%dma_start3A_270 : memref<16xf32, #tpu.memory_space<hbm>>) target_semaphore(%run_scoped3A : memref<!tpu.dma_semaphore, #tpu.memory_space<semaphore_mem>>)
      %dma_wait3A = arith.constant 0 : i32
      %dma_wait3A_271 = tpu.memref_slice %arg5[%add3A_8, %dma_wait3A] : memref<64x16xf32, #tpu.memory_space<hbm>> -> memref<1x16xf32, #tpu.memory_space<hbm>>
      %dma_wait3A_272 = tpu.memref_squeeze %dma_wait3A_271 : memref<1x16xf32, #tpu.memory_space<hbm>> -> memref<16xf32, #tpu.memory_space<hbm>>
      %dma_wait3A_273 = arith.constant 0 : i32
      %dma_wait3A_274 = tpu.memref_slice %arg5[%add3A_8, %dma_wait3A_273] : memref<64x16xf32, #tpu.memory_space<hbm>> -> memref<1x16xf32, #tpu.memory_space<hbm>>
      %dma_wait3A_275 = tpu.memref_squeeze %dma_wait3A_274 : memref<1x16xf32, #tpu.memory_space<hbm>> -> memref<16xf32, #tpu.memory_space<hbm>>
      tpu.wait_dma2 semaphore(%run_scoped3A : memref<!tpu.dma_semaphore, #tpu.memory_space<semaphore_mem>>) src(%arg9 : memref<16xf32, #tpu.memory_space<vmem>>) dst(%dma_wait3A_275 : memref<16xf32, #tpu.memory_space<hbm>>)
      tpu.yield
    }) : () -> ()
    %mul3A_130 = arith.constant 2 : i32
    %mul3A_131 = arith.muli %add3A, %mul3A_130 : i32
    %add3A_132 = arith.constant 1 : i32
    %add3A_133 = arith.addi %mul3A_131, %add3A_132 : i32
    "tpu.region"() ({
      %run_scoped3A = tpu.sem_alloc : memref<!tpu.dma_semaphore, #tpu.memory_space<semaphore_mem>>
      %dma_start3A = arith.constant 0 : i32
      %dma_start3A_266 = tpu.memref_slice %arg2[%add3A_133, %dma_start3A] : memref<64x34928xf32, #tpu.memory_space<hbm>> -> memref<1x34928xf32, #tpu.memory_space<hbm>>
      %dma_start3A_267 = tpu.memref_squeeze %dma_start3A_266 : memref<1x34928xf32, #tpu.memory_space<hbm>> -> memref<34928xf32, #tpu.memory_space<hbm>>
      %dma_start3A_268 = arith.constant 0 : i32
      %dma_start3A_269 = tpu.memref_slice %arg2[%add3A_133, %dma_start3A_268] : memref<64x34928xf32, #tpu.memory_space<hbm>> -> memref<1x34928xf32, #tpu.memory_space<hbm>>
      %dma_start3A_270 = tpu.memref_squeeze %dma_start3A_269 : memref<1x34928xf32, #tpu.memory_space<hbm>> -> memref<34928xf32, #tpu.memory_space<hbm>>
      tpu.enqueue_dma source(%dma_start3A_270 : memref<34928xf32, #tpu.memory_space<hbm>>) target(%arg6 : memref<34928xf32, #tpu.memory_space<vmem>>) target_semaphore(%run_scoped3A : memref<!tpu.dma_semaphore, #tpu.memory_space<semaphore_mem>>)
      %dma_wait3A = arith.constant 0 : i32
      %dma_wait3A_271 = tpu.memref_slice %arg2[%add3A_133, %dma_wait3A] : memref<64x34928xf32, #tpu.memory_space<hbm>> -> memref<1x34928xf32, #tpu.memory_space<hbm>>
      %dma_wait3A_272 = tpu.memref_squeeze %dma_wait3A_271 : memref<1x34928xf32, #tpu.memory_space<hbm>> -> memref<34928xf32, #tpu.memory_space<hbm>>
      %dma_wait3A_273 = arith.constant 0 : i32
      %dma_wait3A_274 = tpu.memref_slice %arg2[%add3A_133, %dma_wait3A_273] : memref<64x34928xf32, #tpu.memory_space<hbm>> -> memref<1x34928xf32, #tpu.memory_space<hbm>>
      %dma_wait3A_275 = tpu.memref_squeeze %dma_wait3A_274 : memref<1x34928xf32, #tpu.memory_space<hbm>> -> memref<34928xf32, #tpu.memory_space<hbm>>
      tpu.wait_dma2 semaphore(%run_scoped3A : memref<!tpu.dma_semaphore, #tpu.memory_space<semaphore_mem>>) src(%dma_wait3A_275 : memref<34928xf32, #tpu.memory_space<hbm>>) dst(%arg6 : memref<34928xf32, #tpu.memory_space<vmem>>)
      tpu.yield
    }) : () -> ()
    "tpu.region"() ({
      %run_scoped3A = tpu.sem_alloc : memref<!tpu.dma_semaphore, #tpu.memory_space<semaphore_mem>>
      %dma_start3A = arith.constant 0 : i32
      %dma_start3A_266 = tpu.memref_slice %arg3[%add3A_133, %dma_start3A] : memref<64x34928xf32, #tpu.memory_space<hbm>> -> memref<1x34928xf32, #tpu.memory_space<hbm>>
      %dma_start3A_267 = tpu.memref_squeeze %dma_start3A_266 : memref<1x34928xf32, #tpu.memory_space<hbm>> -> memref<34928xf32, #tpu.memory_space<hbm>>
      %dma_start3A_268 = arith.constant 0 : i32
      %dma_start3A_269 = tpu.memref_slice %arg3[%add3A_133, %dma_start3A_268] : memref<64x34928xf32, #tpu.memory_space<hbm>> -> memref<1x34928xf32, #tpu.memory_space<hbm>>
      %dma_start3A_270 = tpu.memref_squeeze %dma_start3A_269 : memref<1x34928xf32, #tpu.memory_space<hbm>> -> memref<34928xf32, #tpu.memory_space<hbm>>
      tpu.enqueue_dma source(%dma_start3A_270 : memref<34928xf32, #tpu.memory_space<hbm>>) target(%arg7 : memref<34928xf32, #tpu.memory_space<vmem>>) target_semaphore(%run_scoped3A : memref<!tpu.dma_semaphore, #tpu.memory_space<semaphore_mem>>)
      %dma_wait3A = arith.constant 0 : i32
      %dma_wait3A_271 = tpu.memref_slice %arg3[%add3A_133, %dma_wait3A] : memref<64x34928xf32, #tpu.memory_space<hbm>> -> memref<1x34928xf32, #tpu.memory_space<hbm>>
      %dma_wait3A_272 = tpu.memref_squeeze %dma_wait3A_271 : memref<1x34928xf32, #tpu.memory_space<hbm>> -> memref<34928xf32, #tpu.memory_space<hbm>>
      %dma_wait3A_273 = arith.constant 0 : i32
      %dma_wait3A_274 = tpu.memref_slice %arg3[%add3A_133, %dma_wait3A_273] : memref<64x34928xf32, #tpu.memory_space<hbm>> -> memref<1x34928xf32, #tpu.memory_space<hbm>>
      %dma_wait3A_275 = tpu.memref_squeeze %dma_wait3A_274 : memref<1x34928xf32, #tpu.memory_space<hbm>> -> memref<34928xf32, #tpu.memory_space<hbm>>
      tpu.wait_dma2 semaphore(%run_scoped3A : memref<!tpu.dma_semaphore, #tpu.memory_space<semaphore_mem>>) src(%dma_wait3A_275 : memref<34928xf32, #tpu.memory_space<hbm>>) dst(%arg7 : memref<34928xf32, #tpu.memory_space<vmem>>)
      tpu.yield
    }) : () -> ()
    %broadcast_in_dim3A_134 = arith.constant 0.000000e+00 : f32
    %broadcast_in_dim3A_135 = vector.broadcast %broadcast_in_dim3A_134 : f32 to vector<16xf32>
    %scan3A_136 = arith.constant 0 : i32
    %scan3A_137 = arith.constant 545 : i32
    %scan3A_138 = arith.addi %scan3A_136, %scan3A_137 : i32
    %scan3A_139 = arith.constant 1 : i32
    %scan3A_140 = scf.for %scan3A_266 = %scan3A_136 to %scan3A_138 step %scan3A_139 iter_args(%scan3A_267 = %broadcast_in_dim3A_135) -> (vector<16xf32>)  : i32 {
      %mul3A_268 = arith.constant 16 : i32
      %mul3A_269 = arith.muli %scan3A_266, %mul3A_268 : i32
      %add3A_270 = arith.constant 8732 : i32
      %add3A_271 = arith.addi %add3A_270, %mul3A_269 : i32
      %sub3A_272 = arith.constant 0 : i32
      %sub3A_273 = arith.subi %add3A_271, %sub3A_272 : i32
      %get3A_274 = arith.index_cast %sub3A_273 : i32 to index
      %get3A_275 = tpu.vector_load %arg8[%get3A_274] {strides = array<i32>} : memref<17464xi32, #tpu.memory_space<vmem>>, vector<16xi32>,
      %get3A_276 = vector.shape_cast %get3A_275 : vector<16xi32> to vector<16xi32>
      %mul3A_277 = arith.constant 64 : i32
      %mul3A_278 = arith.muli %scan3A_266, %mul3A_277 : i32
      %add3A_279 = arith.constant 0 : i32
      %add3A_280 = arith.addi %mul3A_278, %add3A_279 : i32
      %get3A_281 = arith.index_cast %add3A_280 : i32 to index
      %get3A_282 = tpu.vector_load %arg6[%get3A_281] {strides = array<i32>} : memref<34928xf32, #tpu.memory_space<vmem>>, vector<16xf32>,
      %get3A_283 = vector.shape_cast %get3A_282 : vector<16xf32> to vector<16xf32>
      %mul3A_284 = arith.constant 64 : i32
      %mul3A_285 = arith.muli %scan3A_266, %mul3A_284 : i32
      %add3A_286 = arith.constant 0 : i32
      %add3A_287 = arith.addi %mul3A_285, %add3A_286 : i32
      %get3A_288 = arith.index_cast %add3A_287 : i32 to index
      %get3A_289 = tpu.vector_load %arg7[%get3A_288] {strides = array<i32>} : memref<34928xf32, #tpu.memory_space<vmem>>, vector<16xf32>,
      %get3A_290 = vector.shape_cast %get3A_289 : vector<16xf32> to vector<16xf32>
      %add3A_291 = arith.constant 0 : i32
      %add3A_292 = vector.broadcast %add3A_291 : i32 to vector<16xi32>
      %add3A_293 = arith.addi %add3A_292, %shift_right_logical3A_2 : vector<16xi32>
      %lt3A_294 = arith.constant 0 : i32
      %lt3A_295 = vector.broadcast %lt3A_294 : i32 to vector<16xi32>
      %lt3A_296 = arith.cmpi slt, %add3A_293, %lt3A_295 : vector<16xi32>
      %add3A_297 = arith.constant 16 : i32
      %add3A_298 = vector.broadcast %add3A_297 : i32 to vector<16xi32>
      %add3A_299 = arith.addi %add3A_293, %add3A_298 : vector<16xi32>
      %select_n3A_300 = arith.select %lt3A_296, %add3A_299, %add3A_293 : vector<16xi1>, vector<16xi32>
      %broadcast_in_dim3A_301 = vector.shape_cast %select_n3A_300 : vector<16xi32> to vector<16x1xi32>
      %gather3A_302 = vector.shape_cast %broadcast_in_dim3A_301 : vector<16x1xi32> to vector<16xi32>
      %gather3A_303 = tpu.dynamic_gather %get3A_276[%gather3A_302] in [0] : vector<16xi32>, vector<16xi32> -> vector<16xi32>
      %sub3A_304 = arith.subf %get3A_283, %get3A_290 : vector<16xf32>
      %abs3A_305 = math.absf %sub3A_304 : vector<16xf32>
      %lt3A_306 = arith.constant 1.000000e+00 : f32
      %lt3A_307 = vector.broadcast %lt3A_306 : f32 to vector<16xf32>
      %lt3A_308 = arith.cmpf olt, %abs3A_305, %lt3A_307 : vector<16xf32>
      %mul3A_309 = arith.constant 5.000000e-01 : f32
      %mul3A_310 = vector.broadcast %mul3A_309 : f32 to vector<16xf32>
      %mul3A_311 = arith.mulf %mul3A_310, %abs3A_305 : vector<16xf32>
      %mul3A_312 = arith.mulf %mul3A_311, %abs3A_305 : vector<16xf32>
      %sub3A_313 = arith.constant 5.000000e-01 : f32
      %sub3A_314 = vector.broadcast %sub3A_313 : f32 to vector<16xf32>
      %sub3A_315 = arith.subf %abs3A_305, %sub3A_314 : vector<16xf32>
      %select_n3A_316 = arith.select %lt3A_308, %mul3A_312, %sub3A_315 : vector<16xi1>, vector<16xf32>
      %ne3A_317 = arith.constant 0 : i32
      %ne3A_318 = vector.broadcast %ne3A_317 : i32 to vector<16xi32>
      %ne3A_319 = arith.cmpi ne, %gather3A_303, %ne3A_318 : vector<16xi32>
      %jit3A_320 = arith.constant 0.000000e+00 : f32
      %broadcast_in_dim3A_321 = vector.broadcast %jit3A_320 : f32 to vector<16xf32>
      %select_n3A_322 = arith.select %ne3A_319, %select_n3A_316, %broadcast_in_dim3A_321 : vector<16xi1>, vector<16xf32>
      %add3A_323 = arith.addf %scan3A_267, %select_n3A_322 : vector<16xf32>
      %mul3A_324 = arith.constant 64 : i32
      %mul3A_325 = arith.muli %scan3A_266, %mul3A_324 : i32
      %add3A_326 = arith.constant 16 : i32
      %add3A_327 = arith.addi %mul3A_325, %add3A_326 : i32
      %get3A_328 = arith.index_cast %add3A_327 : i32 to index
      %get3A_329 = tpu.vector_load %arg6[%get3A_328] {strides = array<i32>} : memref<34928xf32, #tpu.memory_space<vmem>>, vector<16xf32>,
      %get3A_330 = vector.shape_cast %get3A_329 : vector<16xf32> to vector<16xf32>
      %mul3A_331 = arith.constant 64 : i32
      %mul3A_332 = arith.muli %scan3A_266, %mul3A_331 : i32
      %add3A_333 = arith.constant 16 : i32
      %add3A_334 = arith.addi %mul3A_332, %add3A_333 : i32
      %get3A_335 = arith.index_cast %add3A_334 : i32 to index
      %get3A_336 = tpu.vector_load %arg7[%get3A_335] {strides = array<i32>} : memref<34928xf32, #tpu.memory_space<vmem>>, vector<16xf32>,
      %get3A_337 = vector.shape_cast %get3A_336 : vector<16xf32> to vector<16xf32>
      %add3A_338 = arith.constant 4 : i32
      %add3A_339 = vector.broadcast %add3A_338 : i32 to vector<16xi32>
      %add3A_340 = arith.addi %add3A_339, %shift_right_logical3A_2 : vector<16xi32>
      %lt3A_341 = arith.constant 0 : i32
      %lt3A_342 = vector.broadcast %lt3A_341 : i32 to vector<16xi32>
      %lt3A_343 = arith.cmpi slt, %add3A_340, %lt3A_342 : vector<16xi32>
      %add3A_344 = arith.constant 16 : i32
      %add3A_345 = vector.broadcast %add3A_344 : i32 to vector<16xi32>
      %add3A_346 = arith.addi %add3A_340, %add3A_345 : vector<16xi32>
      %select_n3A_347 = arith.select %lt3A_343, %add3A_346, %add3A_340 : vector<16xi1>, vector<16xi32>
      %broadcast_in_dim3A_348 = vector.shape_cast %select_n3A_347 : vector<16xi32> to vector<16x1xi32>
      %gather3A_349 = vector.shape_cast %broadcast_in_dim3A_348 : vector<16x1xi32> to vector<16xi32>
      %gather3A_350 = tpu.dynamic_gather %get3A_276[%gather3A_349] in [0] : vector<16xi32>, vector<16xi32> -> vector<16xi32>
      %sub3A_351 = arith.subf %get3A_330, %get3A_337 : vector<16xf32>
      %abs3A_352 = math.absf %sub3A_351 : vector<16xf32>
      %lt3A_353 = arith.constant 1.000000e+00 : f32
      %lt3A_354 = vector.broadcast %lt3A_353 : f32 to vector<16xf32>
      %lt3A_355 = arith.cmpf olt, %abs3A_352, %lt3A_354 : vector<16xf32>
      %mul3A_356 = arith.constant 5.000000e-01 : f32
      %mul3A_357 = vector.broadcast %mul3A_356 : f32 to vector<16xf32>
      %mul3A_358 = arith.mulf %mul3A_357, %abs3A_352 : vector<16xf32>
      %mul3A_359 = arith.mulf %mul3A_358, %abs3A_352 : vector<16xf32>
      %sub3A_360 = arith.constant 5.000000e-01 : f32
      %sub3A_361 = vector.broadcast %sub3A_360 : f32 to vector<16xf32>
      %sub3A_362 = arith.subf %abs3A_352, %sub3A_361 : vector<16xf32>
      %select_n3A_363 = arith.select %lt3A_355, %mul3A_359, %sub3A_362 : vector<16xi1>, vector<16xf32>
      %ne3A_364 = arith.constant 0 : i32
      %ne3A_365 = vector.broadcast %ne3A_364 : i32 to vector<16xi32>
      %ne3A_366 = arith.cmpi ne, %gather3A_350, %ne3A_365 : vector<16xi32>
      %jit3A_367 = arith.constant 0.000000e+00 : f32
      %broadcast_in_dim3A_368 = vector.broadcast %jit3A_367 : f32 to vector<16xf32>
      %select_n3A_369 = arith.select %ne3A_366, %select_n3A_363, %broadcast_in_dim3A_368 : vector<16xi1>, vector<16xf32>
      %add3A_370 = arith.addf %add3A_323, %select_n3A_369 : vector<16xf32>
      %mul3A_371 = arith.constant 64 : i32
      %mul3A_372 = arith.muli %scan3A_266, %mul3A_371 : i32
      %add3A_373 = arith.constant 32 : i32
      %add3A_374 = arith.addi %mul3A_372, %add3A_373 : i32
      %get3A_375 = arith.index_cast %add3A_374 : i32 to index
      %get3A_376 = tpu.vector_load %arg6[%get3A_375] {strides = array<i32>} : memref<34928xf32, #tpu.memory_space<vmem>>, vector<16xf32>,
      %get3A_377 = vector.shape_cast %get3A_376 : vector<16xf32> to vector<16xf32>
      %mul3A_378 = arith.constant 64 : i32
      %mul3A_379 = arith.muli %scan3A_266, %mul3A_378 : i32
      %add3A_380 = arith.constant 32 : i32
      %add3A_381 = arith.addi %mul3A_379, %add3A_380 : i32
      %get3A_382 = arith.index_cast %add3A_381 : i32 to index
      %get3A_383 = tpu.vector_load %arg7[%get3A_382] {strides = array<i32>} : memref<34928xf32, #tpu.memory_space<vmem>>, vector<16xf32>,
      %get3A_384 = vector.shape_cast %get3A_383 : vector<16xf32> to vector<16xf32>
      %add3A_385 = arith.constant 8 : i32
      %add3A_386 = vector.broadcast %add3A_385 : i32 to vector<16xi32>
      %add3A_387 = arith.addi %add3A_386, %shift_right_logical3A_2 : vector<16xi32>
      %lt3A_388 = arith.constant 0 : i32
      %lt3A_389 = vector.broadcast %lt3A_388 : i32 to vector<16xi32>
      %lt3A_390 = arith.cmpi slt, %add3A_387, %lt3A_389 : vector<16xi32>
      %add3A_391 = arith.constant 16 : i32
      %add3A_392 = vector.broadcast %add3A_391 : i32 to vector<16xi32>
      %add3A_393 = arith.addi %add3A_387, %add3A_392 : vector<16xi32>
      %select_n3A_394 = arith.select %lt3A_390, %add3A_393, %add3A_387 : vector<16xi1>, vector<16xi32>
      %broadcast_in_dim3A_395 = vector.shape_cast %select_n3A_394 : vector<16xi32> to vector<16x1xi32>
      %gather3A_396 = vector.shape_cast %broadcast_in_dim3A_395 : vector<16x1xi32> to vector<16xi32>
      %gather3A_397 = tpu.dynamic_gather %get3A_276[%gather3A_396] in [0] : vector<16xi32>, vector<16xi32> -> vector<16xi32>
      %sub3A_398 = arith.subf %get3A_377, %get3A_384 : vector<16xf32>
      %abs3A_399 = math.absf %sub3A_398 : vector<16xf32>
      %lt3A_400 = arith.constant 1.000000e+00 : f32
      %lt3A_401 = vector.broadcast %lt3A_400 : f32 to vector<16xf32>
      %lt3A_402 = arith.cmpf olt, %abs3A_399, %lt3A_401 : vector<16xf32>
      %mul3A_403 = arith.constant 5.000000e-01 : f32
      %mul3A_404 = vector.broadcast %mul3A_403 : f32 to vector<16xf32>
      %mul3A_405 = arith.mulf %mul3A_404, %abs3A_399 : vector<16xf32>
      %mul3A_406 = arith.mulf %mul3A_405, %abs3A_399 : vector<16xf32>
      %sub3A_407 = arith.constant 5.000000e-01 : f32
      %sub3A_408 = vector.broadcast %sub3A_407 : f32 to vector<16xf32>
      %sub3A_409 = arith.subf %abs3A_399, %sub3A_408 : vector<16xf32>
      %select_n3A_410 = arith.select %lt3A_402, %mul3A_406, %sub3A_409 : vector<16xi1>, vector<16xf32>
      %ne3A_411 = arith.constant 0 : i32
      %ne3A_412 = vector.broadcast %ne3A_411 : i32 to vector<16xi32>
      %ne3A_413 = arith.cmpi ne, %gather3A_397, %ne3A_412 : vector<16xi32>
      %jit3A_414 = arith.constant 0.000000e+00 : f32
      %broadcast_in_dim3A_415 = vector.broadcast %jit3A_414 : f32 to vector<16xf32>
      %select_n3A_416 = arith.select %ne3A_413, %select_n3A_410, %broadcast_in_dim3A_415 : vector<16xi1>, vector<16xf32>
      %add3A_417 = arith.addf %add3A_370, %select_n3A_416 : vector<16xf32>
      %mul3A_418 = arith.constant 64 : i32
      %mul3A_419 = arith.muli %scan3A_266, %mul3A_418 : i32
      %add3A_420 = arith.constant 48 : i32
      %add3A_421 = arith.addi %mul3A_419, %add3A_420 : i32
      %get3A_422 = arith.index_cast %add3A_421 : i32 to index
      %get3A_423 = tpu.vector_load %arg6[%get3A_422] {strides = array<i32>} : memref<34928xf32, #tpu.memory_space<vmem>>, vector<16xf32>,
      %get3A_424 = vector.shape_cast %get3A_423 : vector<16xf32> to vector<16xf32>
      %mul3A_425 = arith.constant 64 : i32
      %mul3A_426 = arith.muli %scan3A_266, %mul3A_425 : i32
      %add3A_427 = arith.constant 48 : i32
      %add3A_428 = arith.addi %mul3A_426, %add3A_427 : i32
      %get3A_429 = arith.index_cast %add3A_428 : i32 to index
      %get3A_430 = tpu.vector_load %arg7[%get3A_429] {strides = array<i32>} : memref<34928xf32, #tpu.memory_space<vmem>>, vector<16xf32>,
      %get3A_431 = vector.shape_cast %get3A_430 : vector<16xf32> to vector<16xf32>
      %add3A_432 = arith.constant 12 : i32
      %add3A_433 = vector.broadcast %add3A_432 : i32 to vector<16xi32>
      %add3A_434 = arith.addi %add3A_433, %shift_right_logical3A_2 : vector<16xi32>
      %lt3A_435 = arith.constant 0 : i32
      %lt3A_436 = vector.broadcast %lt3A_435 : i32 to vector<16xi32>
      %lt3A_437 = arith.cmpi slt, %add3A_434, %lt3A_436 : vector<16xi32>
      %add3A_438 = arith.constant 16 : i32
      %add3A_439 = vector.broadcast %add3A_438 : i32 to vector<16xi32>
      %add3A_440 = arith.addi %add3A_434, %add3A_439 : vector<16xi32>
      %select_n3A_441 = arith.select %lt3A_437, %add3A_440, %add3A_434 : vector<16xi1>, vector<16xi32>
      %broadcast_in_dim3A_442 = vector.shape_cast %select_n3A_441 : vector<16xi32> to vector<16x1xi32>
      %gather3A_443 = vector.shape_cast %broadcast_in_dim3A_442 : vector<16x1xi32> to vector<16xi32>
      %gather3A_444 = tpu.dynamic_gather %get3A_276[%gather3A_443] in [0] : vector<16xi32>, vector<16xi32> -> vector<16xi32>
      %sub3A_445 = arith.subf %get3A_424, %get3A_431 : vector<16xf32>
      %abs3A_446 = math.absf %sub3A_445 : vector<16xf32>
      %lt3A_447 = arith.constant 1.000000e+00 : f32
      %lt3A_448 = vector.broadcast %lt3A_447 : f32 to vector<16xf32>
      %lt3A_449 = arith.cmpf olt, %abs3A_446, %lt3A_448 : vector<16xf32>
      %mul3A_450 = arith.constant 5.000000e-01 : f32
      %mul3A_451 = vector.broadcast %mul3A_450 : f32 to vector<16xf32>
      %mul3A_452 = arith.mulf %mul3A_451, %abs3A_446 : vector<16xf32>
      %mul3A_453 = arith.mulf %mul3A_452, %abs3A_446 : vector<16xf32>
      %sub3A_454 = arith.constant 5.000000e-01 : f32
      %sub3A_455 = vector.broadcast %sub3A_454 : f32 to vector<16xf32>
      %sub3A_456 = arith.subf %abs3A_446, %sub3A_455 : vector<16xf32>
      %select_n3A_457 = arith.select %lt3A_449, %mul3A_453, %sub3A_456 : vector<16xi1>, vector<16xf32>
      %ne3A_458 = arith.constant 0 : i32
      %ne3A_459 = vector.broadcast %ne3A_458 : i32 to vector<16xi32>
      %ne3A_460 = arith.cmpi ne, %gather3A_444, %ne3A_459 : vector<16xi32>
      %jit3A_461 = arith.constant 0.000000e+00 : f32
      %broadcast_in_dim3A_462 = vector.broadcast %jit3A_461 : f32 to vector<16xf32>
      %select_n3A_463 = arith.select %ne3A_460, %select_n3A_457, %broadcast_in_dim3A_462 : vector<16xi1>, vector<16xf32>
      %add3A_464 = arith.addf %add3A_417, %select_n3A_463 : vector<16xf32>
      scf.yield %add3A_464 : vector<16xf32>
    }
    %scan3A_141 = arith.constant 545 : i32
    %get3A_142 = arith.constant 17448 : index
    %get3A_143 = tpu.vector_load %arg8[%get3A_142] {strides = array<i32>} : memref<17464xi32, #tpu.memory_space<vmem>>, vector<16xi32>,
    %get3A_144 = vector.shape_cast %get3A_143 : vector<16xi32> to vector<16xi32>
    %get3A_145 = arith.constant 34880 : index
    %get3A_146 = tpu.vector_load %arg6[%get3A_145] {strides = array<i32>} : memref<34928xf32, #tpu.memory_space<vmem>>, vector<16xf32>,
    %get3A_147 = vector.shape_cast %get3A_146 : vector<16xf32> to vector<16xf32>
    %get3A_148 = arith.constant 34880 : index
    %get3A_149 = tpu.vector_load %arg7[%get3A_148] {strides = array<i32>} : memref<34928xf32, #tpu.memory_space<vmem>>, vector<16xf32>,
    %get3A_150 = vector.shape_cast %get3A_149 : vector<16xf32> to vector<16xf32>
    %add3A_151 = arith.constant 4 : i32
    %add3A_152 = vector.broadcast %add3A_151 : i32 to vector<16xi32>
    %add3A_153 = arith.addi %add3A_152, %shift_right_logical3A_2 : vector<16xi32>
    %lt3A_154 = arith.constant 0 : i32
    %lt3A_155 = vector.broadcast %lt3A_154 : i32 to vector<16xi32>
    %lt3A_156 = arith.cmpi slt, %add3A_153, %lt3A_155 : vector<16xi32>
    %add3A_157 = arith.constant 16 : i32
    %add3A_158 = vector.broadcast %add3A_157 : i32 to vector<16xi32>
    %add3A_159 = arith.addi %add3A_153, %add3A_158 : vector<16xi32>
    %select_n3A_160 = arith.select %lt3A_156, %add3A_159, %add3A_153 : vector<16xi1>, vector<16xi32>
    %broadcast_in_dim3A_161 = vector.shape_cast %select_n3A_160 : vector<16xi32> to vector<16x1xi32>
    %gather3A_162 = vector.shape_cast %broadcast_in_dim3A_161 : vector<16x1xi32> to vector<16xi32>
    %gather3A_163 = tpu.dynamic_gather %get3A_144[%gather3A_162] in [0] : vector<16xi32>, vector<16xi32> -> vector<16xi32>
    %sub3A_164 = arith.subf %get3A_147, %get3A_150 : vector<16xf32>
    %abs3A_165 = math.absf %sub3A_164 : vector<16xf32>
    %lt3A_166 = arith.constant 1.000000e+00 : f32
    %lt3A_167 = vector.broadcast %lt3A_166 : f32 to vector<16xf32>
    %lt3A_168 = arith.cmpf olt, %abs3A_165, %lt3A_167 : vector<16xf32>
    %mul3A_169 = arith.constant 5.000000e-01 : f32
    %mul3A_170 = vector.broadcast %mul3A_169 : f32 to vector<16xf32>
    %mul3A_171 = arith.mulf %mul3A_170, %abs3A_165 : vector<16xf32>
    %mul3A_172 = arith.mulf %mul3A_171, %abs3A_165 : vector<16xf32>
    %sub3A_173 = arith.constant 5.000000e-01 : f32
    %sub3A_174 = vector.broadcast %sub3A_173 : f32 to vector<16xf32>
    %sub3A_175 = arith.subf %abs3A_165, %sub3A_174 : vector<16xf32>
    %select_n3A_176 = arith.select %lt3A_168, %mul3A_172, %sub3A_175 : vector<16xi1>, vector<16xf32>
    %ne3A_177 = arith.constant 0 : i32
    %ne3A_178 = vector.broadcast %ne3A_177 : i32 to vector<16xi32>
    %ne3A_179 = arith.cmpi ne, %gather3A_163, %ne3A_178 : vector<16xi32>
    %jit3A_180 = arith.constant 0.000000e+00 : f32
    %broadcast_in_dim3A_181 = vector.broadcast %jit3A_180 : f32 to vector<16xf32>
    %select_n3A_182 = arith.select %ne3A_179, %select_n3A_176, %broadcast_in_dim3A_181 : vector<16xi1>, vector<16xf32>
    %add3A_183 = arith.addf %scan3A_140, %select_n3A_182 : vector<16xf32>
    %get3A_184 = arith.constant 34896 : index
    %get3A_185 = tpu.vector_load %arg6[%get3A_184] {strides = array<i32>} : memref<34928xf32, #tpu.memory_space<vmem>>, vector<16xf32>,
    %get3A_186 = vector.shape_cast %get3A_185 : vector<16xf32> to vector<16xf32>
    %get3A_187 = arith.constant 34896 : index
    %get3A_188 = tpu.vector_load %arg7[%get3A_187] {strides = array<i32>} : memref<34928xf32, #tpu.memory_space<vmem>>, vector<16xf32>,
    %get3A_189 = vector.shape_cast %get3A_188 : vector<16xf32> to vector<16xf32>
    %add3A_190 = arith.constant 8 : i32
    %add3A_191 = vector.broadcast %add3A_190 : i32 to vector<16xi32>
    %add3A_192 = arith.addi %add3A_191, %shift_right_logical3A_2 : vector<16xi32>
    %lt3A_193 = arith.constant 0 : i32
    %lt3A_194 = vector.broadcast %lt3A_193 : i32 to vector<16xi32>
    %lt3A_195 = arith.cmpi slt, %add3A_192, %lt3A_194 : vector<16xi32>
    %add3A_196 = arith.constant 16 : i32
    %add3A_197 = vector.broadcast %add3A_196 : i32 to vector<16xi32>
    %add3A_198 = arith.addi %add3A_192, %add3A_197 : vector<16xi32>
    %select_n3A_199 = arith.select %lt3A_195, %add3A_198, %add3A_192 : vector<16xi1>, vector<16xi32>
    %broadcast_in_dim3A_200 = vector.shape_cast %select_n3A_199 : vector<16xi32> to vector<16x1xi32>
    %gather3A_201 = vector.shape_cast %broadcast_in_dim3A_200 : vector<16x1xi32> to vector<16xi32>
    %gather3A_202 = tpu.dynamic_gather %get3A_144[%gather3A_201] in [0] : vector<16xi32>, vector<16xi32> -> vector<16xi32>
    %sub3A_203 = arith.subf %get3A_186, %get3A_189 : vector<16xf32>
    %abs3A_204 = math.absf %sub3A_203 : vector<16xf32>
    %lt3A_205 = arith.constant 1.000000e+00 : f32
    %lt3A_206 = vector.broadcast %lt3A_205 : f32 to vector<16xf32>
    %lt3A_207 = arith.cmpf olt, %abs3A_204, %lt3A_206 : vector<16xf32>
    %mul3A_208 = arith.constant 5.000000e-01 : f32
    %mul3A_209 = vector.broadcast %mul3A_208 : f32 to vector<16xf32>
    %mul3A_210 = arith.mulf %mul3A_209, %abs3A_204 : vector<16xf32>
    %mul3A_211 = arith.mulf %mul3A_210, %abs3A_204 : vector<16xf32>
    %sub3A_212 = arith.constant 5.000000e-01 : f32
    %sub3A_213 = vector.broadcast %sub3A_212 : f32 to vector<16xf32>
    %sub3A_214 = arith.subf %abs3A_204, %sub3A_213 : vector<16xf32>
    %select_n3A_215 = arith.select %lt3A_207, %mul3A_211, %sub3A_214 : vector<16xi1>, vector<16xf32>
    %ne3A_216 = arith.constant 0 : i32
    %ne3A_217 = vector.broadcast %ne3A_216 : i32 to vector<16xi32>
    %ne3A_218 = arith.cmpi ne, %gather3A_202, %ne3A_217 : vector<16xi32>
    %jit3A_219 = arith.constant 0.000000e+00 : f32
    %broadcast_in_dim3A_220 = vector.broadcast %jit3A_219 : f32 to vector<16xf32>
    %select_n3A_221 = arith.select %ne3A_218, %select_n3A_215, %broadcast_in_dim3A_220 : vector<16xi1>, vector<16xf32>
    %add3A_222 = arith.addf %add3A_183, %select_n3A_221 : vector<16xf32>
    %get3A_223 = arith.constant 34912 : index
    %get3A_224 = tpu.vector_load %arg6[%get3A_223] {strides = array<i32>} : memref<34928xf32, #tpu.memory_space<vmem>>, vector<16xf32>,
    %get3A_225 = vector.shape_cast %get3A_224 : vector<16xf32> to vector<16xf32>
    %get3A_226 = arith.constant 34912 : index
    %get3A_227 = tpu.vector_load %arg7[%get3A_226] {strides = array<i32>} : memref<34928xf32, #tpu.memory_space<vmem>>, vector<16xf32>,
    %get3A_228 = vector.shape_cast %get3A_227 : vector<16xf32> to vector<16xf32>
    %add3A_229 = arith.constant 12 : i32
    %add3A_230 = vector.broadcast %add3A_229 : i32 to vector<16xi32>
    %add3A_231 = arith.addi %add3A_230, %shift_right_logical3A_2 : vector<16xi32>
    %lt3A_232 = arith.constant 0 : i32
    %lt3A_233 = vector.broadcast %lt3A_232 : i32 to vector<16xi32>
    %lt3A_234 = arith.cmpi slt, %add3A_231, %lt3A_233 : vector<16xi32>
    %add3A_235 = arith.constant 16 : i32
    %add3A_236 = vector.broadcast %add3A_235 : i32 to vector<16xi32>
    %add3A_237 = arith.addi %add3A_231, %add3A_236 : vector<16xi32>
    %select_n3A_238 = arith.select %lt3A_234, %add3A_237, %add3A_231 : vector<16xi1>, vector<16xi32>
    %broadcast_in_dim3A_239 = vector.shape_cast %select_n3A_238 : vector<16xi32> to vector<16x1xi32>
    %gather3A_240 = vector.shape_cast %broadcast_in_dim3A_239 : vector<16x1xi32> to vector<16xi32>
    %gather3A_241 = tpu.dynamic_gather %get3A_144[%gather3A_240] in [0] : vector<16xi32>, vector<16xi32> -> vector<16xi32>
    %sub3A_242 = arith.subf %get3A_225, %get3A_228 : vector<16xf32>
    %abs3A_243 = math.absf %sub3A_242 : vector<16xf32>
    %lt3A_244 = arith.constant 1.000000e+00 : f32
    %lt3A_245 = vector.broadcast %lt3A_244 : f32 to vector<16xf32>
    %lt3A_246 = arith.cmpf olt, %abs3A_243, %lt3A_245 : vector<16xf32>
    %mul3A_247 = arith.constant 5.000000e-01 : f32
    %mul3A_248 = vector.broadcast %mul3A_247 : f32 to vector<16xf32>
    %mul3A_249 = arith.mulf %mul3A_248, %abs3A_243 : vector<16xf32>
    %mul3A_250 = arith.mulf %mul3A_249, %abs3A_243 : vector<16xf32>
    %sub3A_251 = arith.constant 5.000000e-01 : f32
    %sub3A_252 = vector.broadcast %sub3A_251 : f32 to vector<16xf32>
    %sub3A_253 = arith.subf %abs3A_243, %sub3A_252 : vector<16xf32>
    %select_n3A_254 = arith.select %lt3A_246, %mul3A_250, %sub3A_253 : vector<16xi1>, vector<16xf32>
    %ne3A_255 = arith.constant 0 : i32
    %ne3A_256 = vector.broadcast %ne3A_255 : i32 to vector<16xi32>
    %ne3A_257 = arith.cmpi ne, %gather3A_241, %ne3A_256 : vector<16xi32>
    %jit3A_258 = arith.constant 0.000000e+00 : f32
    %broadcast_in_dim3A_259 = vector.broadcast %jit3A_258 : f32 to vector<16xf32>
    %select_n3A_260 = arith.select %ne3A_257, %select_n3A_254, %broadcast_in_dim3A_259 : vector<16xi1>, vector<16xf32>
    %add3A_261 = arith.addf %add3A_222, %select_n3A_260 : vector<16xf32>
    %swap3A_262 = arith.constant 0 : index
    %swap3A_263 = tpu.vector_load %arg9[%swap3A_262] {strides = array<i32>} : memref<16xf32, #tpu.memory_space<vmem>>, vector<16xf32>,
    %swap3A_264 = vector.shape_cast %swap3A_263 : vector<16xf32> to vector<16xf32>
    %swap3A_265 = vector.shape_cast %add3A_261 : vector<16xf32> to vector<16xf32>
    tpu.vector_store %arg9[%swap3A_262], %swap3A_265 {strides = array<i32>} : memref<16xf32, #tpu.memory_space<vmem>>, vector<16xf32>,
    "tpu.region"() ({
      %run_scoped3A = tpu.sem_alloc : memref<!tpu.dma_semaphore, #tpu.memory_space<semaphore_mem>>
      %dma_start3A = arith.constant 0 : i32
      %dma_start3A_266 = tpu.memref_slice %arg5[%add3A_133, %dma_start3A] : memref<64x16xf32, #tpu.memory_space<hbm>> -> memref<1x16xf32, #tpu.memory_space<hbm>>
      %dma_start3A_267 = tpu.memref_squeeze %dma_start3A_266 : memref<1x16xf32, #tpu.memory_space<hbm>> -> memref<16xf32, #tpu.memory_space<hbm>>
      %dma_start3A_268 = arith.constant 0 : i32
      %dma_start3A_269 = tpu.memref_slice %arg5[%add3A_133, %dma_start3A_268] : memref<64x16xf32, #tpu.memory_space<hbm>> -> memref<1x16xf32, #tpu.memory_space<hbm>>
      %dma_start3A_270 = tpu.memref_squeeze %dma_start3A_269 : memref<1x16xf32, #tpu.memory_space<hbm>> -> memref<16xf32, #tpu.memory_space<hbm>>
      tpu.enqueue_dma source(%arg9 : memref<16xf32, #tpu.memory_space<vmem>>) target(%dma_start3A_270 : memref<16xf32, #tpu.memory_space<hbm>>) target_semaphore(%run_scoped3A : memref<!tpu.dma_semaphore, #tpu.memory_space<semaphore_mem>>)
      %dma_wait3A = arith.constant 0 : i32
      %dma_wait3A_271 = tpu.memref_slice %arg5[%add3A_133, %dma_wait3A] : memref<64x16xf32, #tpu.memory_space<hbm>> -> memref<1x16xf32, #tpu.memory_space<hbm>>
      %dma_wait3A_272 = tpu.memref_squeeze %dma_wait3A_271 : memref<1x16xf32, #tpu.memory_space<hbm>> -> memref<16xf32, #tpu.memory_space<hbm>>
      %dma_wait3A_273 = arith.constant 0 : i32
      %dma_wait3A_274 = tpu.memref_slice %arg5[%add3A_133, %dma_wait3A_273] : memref<64x16xf32, #tpu.memory_space<hbm>> -> memref<1x16xf32, #tpu.memory_space<hbm>>
      %dma_wait3A_275 = tpu.memref_squeeze %dma_wait3A_274 : memref<1x16xf32, #tpu.memory_space<hbm>> -> memref<16xf32, #tpu.memory_space<hbm>>
      tpu.wait_dma2 semaphore(%run_scoped3A : memref<!tpu.dma_semaphore, #tpu.memory_space<semaphore_mem>>) src(%arg9 : memref<16xf32, #tpu.memory_space<vmem>>) dst(%dma_wait3A_275 : memref<16xf32, #tpu.memory_space<hbm>>)
      tpu.yield
    }) : () -> ()
    return
  }
}

module attributes {stable_mosaic.version = 14 : i64} {
  func.func @_conf_body(%arg0: i32, %arg1: memref<1x1x8732xi32, #tpu.memory_space<vmem>>, %arg2: memref<1x8732x81xf32, #tpu.memory_space<vmem>>, %arg3: memref<64x16xf32, #tpu.memory_space<vmem>>, %arg4: memref<1xf32, #tpu.memory_space<smem>>, %arg5: memref<3xf32, #tpu.memory_space<smem>>) attributes {dimension_semantics = [#tpu.dimension_semantics<arbitrary>], iteration_bounds = array<i64: 64>, scalar_prefetch = 0 : i64, scratch_operands = 1 : i64, tpu.core_type = #tpu.core_type<tc>, window_params = [{transform_indices = @transform_0, window_bounds = array<i64: 1, 1, 8732>}, {transform_indices = @transform_1, window_bounds = array<i64: 1, 8732, 81>}, {pipeline_mode = #tpu.pipeline_mode<synchronous>, transform_indices = @transform_2, window_bounds = array<i64: 64, 16>}, {transform_indices = @transform_3, window_bounds = array<i64: 1>}]} {
    %eq3A = arith.constant 0 : i32
    %eq3A_0 = arith.cmpi eq, %arg0, %eq3A : i32
    %convert_element_type3A = arith.extui %eq3A_0 : i1 to i32
    %cond3A = arith.constant 0 : i32
    %cond3A_1 = arith.cmpi ne, %convert_element_type3A, %cond3A : i32
    scf.if %cond3A_1 {
      %swap3A_71 = arith.constant 0.000000e+00 : f32
      %swap3A_72 = arith.constant 0 : index
      %swap3A_73 = memref.load %arg5[%swap3A_72] : memref<3xf32, #tpu.memory_space<smem>>
      memref.store %swap3A_71, %arg5[%swap3A_72] : memref<3xf32, #tpu.memory_space<smem>>
      %swap3A_74 = arith.constant 0.000000e+00 : f32
      %swap3A_75 = arith.constant 1 : index
      %swap3A_76 = memref.load %arg5[%swap3A_75] : memref<3xf32, #tpu.memory_space<smem>>
      memref.store %swap3A_74, %arg5[%swap3A_75] : memref<3xf32, #tpu.memory_space<smem>>
      %swap3A_77 = arith.constant 0.000000e+00 : f32
      %swap3A_78 = arith.constant 2 : index
      %swap3A_79 = memref.load %arg5[%swap3A_78] : memref<3xf32, #tpu.memory_space<smem>>
      memref.store %swap3A_77, %arg5[%swap3A_78] : memref<3xf32, #tpu.memory_space<smem>>
    } else {
    }
    %get3A = arith.constant 0 : index
    %get3A_2 = arith.constant 0 : index
    %get3A_3 = arith.constant 0 : index
    %get3A_4 = vector.load %arg2[%get3A, %get3A_2, %get3A_3] : memref<1x8732x81xf32, #tpu.memory_space<vmem>>, vector<1x8732x81xf32>
    %get3A_5 = vector.shape_cast %get3A_4 : vector<1x8732x81xf32> to vector<8732x81xf32>
    %convert_element_type3A_6 = arith.truncf %get3A_5 : vector<8732x81xf32> to vector<8732x81xbf16>
    %exp3A = math.exp %convert_element_type3A_6 : vector<8732x81xbf16>
    %convert_element_type3A_7 = arith.extf %exp3A : vector<8732x81xbf16> to vector<8732x81xf32>
    %reduce_sum3A = arith.constant dense<0.000000e+00> : vector<8732xf32>
    %reduce_sum3A_8 = vector.multi_reduction <add>, %convert_element_type3A_7, %reduce_sum3A [1] : vector<8732x81xf32> to vector<8732xf32>
    %convert_element_type3A_9 = arith.truncf %reduce_sum3A_8 : vector<8732xf32> to vector<8732xbf16>
    %convert_element_type3A_10 = arith.extf %convert_element_type3A_9 : vector<8732xbf16> to vector<8732xf32>
    %log3A = math.log %convert_element_type3A_10 : vector<8732xf32>
    %get3A_11 = arith.constant 0 : index
    %get3A_12 = arith.constant 0 : index
    %get3A_13 = arith.constant 0 : index
    %get3A_14 = vector.load %arg1[%get3A_11, %get3A_12, %get3A_13] : memref<1x1x8732xi32, #tpu.memory_space<vmem>>, vector<1x1x8732xi32>
    %get3A_15 = vector.shape_cast %get3A_14 : vector<1x1x8732xi32> to vector<8732xi32>
    %convert_element_type3A_16 = arith.trunci %get3A_15 : vector<8732xi32> to vector<8732xi16>
    %iota3A = tpu.iota {dimensions = array<i32: 1>} : vector<8732x81xi16>
    %broadcast_in_dim3A = vector.shape_cast %convert_element_type3A_16 : vector<8732xi16> to vector<8732x1xi16>
    %eq3A_17 = vector.broadcast %broadcast_in_dim3A : vector<8732x1xi16> to vector<8732x81xi16>
    %eq3A_18 = arith.cmpi eq, %iota3A, %eq3A_17 : vector<8732x81xi16>
    %jit3A = arith.constant 0.000000e+00 : bf16
    %broadcast_in_dim3A_19 = vector.broadcast %jit3A : bf16 to vector<8732x81xbf16>
    %select_n3A = arith.select %eq3A_18, %convert_element_type3A_6, %broadcast_in_dim3A_19 : vector<8732x81xi1>, vector<8732x81xbf16>
    %convert_element_type3A_20 = arith.extf %select_n3A : vector<8732x81xbf16> to vector<8732x81xf32>
    %reduce_sum3A_21 = arith.constant dense<0.000000e+00> : vector<8732xf32>
    %reduce_sum3A_22 = vector.multi_reduction <add>, %convert_element_type3A_20, %reduce_sum3A_21 [1] : vector<8732x81xf32> to vector<8732xf32>
    %convert_element_type3A_23 = arith.truncf %reduce_sum3A_22 : vector<8732xf32> to vector<8732xbf16>
    %convert_element_type3A_24 = arith.extf %convert_element_type3A_23 : vector<8732xbf16> to vector<8732xf32>
    %sub3A = arith.subf %log3A, %convert_element_type3A_24 : vector<8732xf32>
    %ne3A = arith.constant 0 : i32
    %ne3A_25 = vector.broadcast %ne3A : i32 to vector<8732xi32>
    %ne3A_26 = arith.cmpi ne, %get3A_15, %ne3A_25 : vector<8732xi32>
    %convert_element_type3A_27 = arith.extui %ne3A_26 : vector<8732xi1> to vector<8732xi32>
    %convert_element_type3A_28 = arith.sitofp %convert_element_type3A_27 : vector<8732xi32> to vector<8732xf32>
    %reduce_sum3A_29 = vector.shape_cast %convert_element_type3A_28 : vector<8732xf32> to vector<1x8732xf32>
    %reduce_sum3A_30 = arith.constant dense<0.000000e+00> : vector<1xf32>
    %reduce_sum3A_31 = vector.multi_reduction <add>, %reduce_sum3A_29, %reduce_sum3A_30 [1] : vector<1x8732xf32> to vector<1xf32>
    %reduce_sum3A_32 = vector.shape_cast %reduce_sum3A_31 : vector<1xf32> to vector<1x1xf32>
    %reduce_sum3A_33 = vector.extract %reduce_sum3A_32[0, 0] : f32 from vector<1x1xf32>
    %mul3A = arith.mulf %sub3A, %convert_element_type3A_28 : vector<8732xf32>
    %reduce_sum3A_34 = vector.shape_cast %mul3A : vector<8732xf32> to vector<1x8732xf32>
    %reduce_sum3A_35 = arith.constant dense<0.000000e+00> : vector<1xf32>
    %reduce_sum3A_36 = vector.multi_reduction <add>, %reduce_sum3A_34, %reduce_sum3A_35 [1] : vector<1x8732xf32> to vector<1xf32>
    %reduce_sum3A_37 = vector.shape_cast %reduce_sum3A_36 : vector<1xf32> to vector<1x1xf32>
    %reduce_sum3A_38 = vector.extract %reduce_sum3A_37[0, 0] : f32 from vector<1x1xf32>
    %jit3A_39 = arith.constant 0.000000e+00 : f32
    %broadcast_in_dim3A_40 = vector.broadcast %jit3A_39 : f32 to vector<8732xf32>
    %select_n3A_41 = arith.select %ne3A_26, %broadcast_in_dim3A_40, %sub3A : vector<8732xi1>, vector<8732xf32>
    %reduce_sum3A_42 = vector.shape_cast %select_n3A_41 : vector<8732xf32> to vector<1x8732xf32>
    %reduce_sum3A_43 = arith.constant dense<0.000000e+00> : vector<1xf32>
    %reduce_sum3A_44 = vector.multi_reduction <add>, %reduce_sum3A_42, %reduce_sum3A_43 [1] : vector<1x8732xf32> to vector<1xf32>
    %reduce_sum3A_45 = vector.shape_cast %reduce_sum3A_44 : vector<1xf32> to vector<1x1xf32>
    %reduce_sum3A_46 = vector.extract %reduce_sum3A_45[0, 0] : f32 from vector<1x1xf32>
    %get3A_47 = arith.constant 0 : index
    %get3A_48 = memref.load %arg5[%get3A_47] : memref<3xf32, #tpu.memory_space<smem>>
    %add3A = arith.addf %get3A_48, %reduce_sum3A_38 : f32
    %swap3A = arith.constant 0 : index
    %swap3A_49 = memref.load %arg5[%swap3A] : memref<3xf32, #tpu.memory_space<smem>>
    memref.store %add3A, %arg5[%swap3A] : memref<3xf32, #tpu.memory_space<smem>>
    %get3A_50 = arith.constant 2 : index
    %get3A_51 = memref.load %arg5[%get3A_50] : memref<3xf32, #tpu.memory_space<smem>>
    %add3A_52 = arith.addf %get3A_51, %reduce_sum3A_33 : f32
    %swap3A_53 = arith.constant 2 : index
    %swap3A_54 = memref.load %arg5[%swap3A_53] : memref<3xf32, #tpu.memory_space<smem>>
    memref.store %add3A_52, %arg5[%swap3A_53] : memref<3xf32, #tpu.memory_space<smem>>
    %mul3A_55 = arith.constant 3.000000e+00 : f32
    %mul3A_56 = arith.mulf %mul3A_55, %reduce_sum3A_33 : f32
    %sub3A_57 = arith.constant 8.732000e+03 : f32
    %sub3A_58 = arith.subf %sub3A_57, %reduce_sum3A_33 : f32
    %ge3A = arith.cmpf oge, %mul3A_56, %sub3A_58 : f32
    %convert_element_type3A_59 = arith.extui %ge3A : i1 to i32
    %cond3A_60 = arith.constant 0 : i32
    %cond3A_61 = arith.cmpi ne, %convert_element_type3A_59, %cond3A_60 : i32
    scf.if %cond3A_61 {
      %get3A_71 = arith.constant 1 : index
      %get3A_72 = memref.load %arg5[%get3A_71] : memref<3xf32, #tpu.memory_space<smem>>
      %add3A_73 = arith.addf %get3A_72, %reduce_sum3A_46 : f32
      %swap3A_74 = arith.constant 1 : index
      %swap3A_75 = memref.load %arg5[%swap3A_74] : memref<3xf32, #tpu.memory_space<smem>>
      memref.store %add3A_73, %arg5[%swap3A_74] : memref<3xf32, #tpu.memory_space<smem>>
    } else {
    }
    %not3A = arith.constant true
    %not3A_62 = arith.xori %ge3A, %not3A : i1
    %convert_element_type3A_63 = arith.extui %not3A_62 : i1 to i32
    %cond3A_64 = arith.constant 0 : i32
    %cond3A_65 = arith.cmpi ne, %convert_element_type3A_63, %cond3A_64 : i32
    scf.if %cond3A_65 {
      %scan3A = arith.constant 0 : i32
      %scan3A_71 = arith.constant 0 : i32
      %scan3A_72 = arith.constant 31 : i32
      %scan3A_73 = arith.addi %scan3A_71, %scan3A_72 : i32
      %scan3A_74 = arith.constant 1 : i32
      %scan3A_75 = scf.for %scan3A_105 = %scan3A_71 to %scan3A_73 step %scan3A_74 iter_args(%scan3A_106 = %scan3A) -> (i32)  : i32 {
        %sub3A_107 = arith.constant 30 : i32
        %sub3A_108 = arith.subi %sub3A_107, %scan3A_105 : i32
        %shift_left3A = arith.constant 1 : i32
        %shift_left3A_109 = arith.shli %shift_left3A, %sub3A_108 : i32
        %or3A = arith.ori %scan3A_106, %shift_left3A_109 : i32
        %bitcast_convert_type3A_110 = arith.bitcast %or3A : i32 to f32
        %ge3A_111 = vector.broadcast %bitcast_convert_type3A_110 : f32 to vector<8732xf32>
        %ge3A_112 = arith.cmpf oge, %select_n3A_41, %ge3A_111 : vector<8732xf32>
        %jit3A_113 = arith.constant 1.000000e+00 : f32
        %jit3A_114 = arith.constant 0.000000e+00 : f32
        %broadcast_in_dim3A_115 = vector.broadcast %jit3A_113 : f32 to vector<8732xf32>
        %broadcast_in_dim3A_116 = vector.broadcast %jit3A_114 : f32 to vector<8732xf32>
        %select_n3A_117 = arith.select %ge3A_112, %broadcast_in_dim3A_115, %broadcast_in_dim3A_116 : vector<8732xi1>, vector<8732xf32>
        %reduce_sum3A_118 = vector.shape_cast %select_n3A_117 : vector<8732xf32> to vector<1x8732xf32>
        %reduce_sum3A_119 = arith.constant dense<0.000000e+00> : vector<1xf32>
        %reduce_sum3A_120 = vector.multi_reduction <add>, %reduce_sum3A_118, %reduce_sum3A_119 [1] : vector<1x8732xf32> to vector<1xf32>
        %reduce_sum3A_121 = vector.shape_cast %reduce_sum3A_120 : vector<1xf32> to vector<1x1xf32>
        %reduce_sum3A_122 = vector.extract %reduce_sum3A_121[0, 0] : f32 from vector<1x1xf32>
        %ge3A_123 = arith.cmpf oge, %reduce_sum3A_122, %mul3A_56 : f32
        %select_n3A_124 = arith.select %ge3A_123, %or3A, %scan3A_106 : i32
        scf.yield %select_n3A_124 : i32
      }
      %scan3A_76 = arith.constant 31 : i32
      %bitcast_convert_type3A = arith.bitcast %scan3A_75 : i32 to f32
      %gt3A = vector.broadcast %bitcast_convert_type3A : f32 to vector<8732xf32>
      %gt3A_77 = arith.cmpf ogt, %select_n3A_41, %gt3A : vector<8732xf32>
      %convert_element_type3A_78 = arith.extui %gt3A_77 : vector<8732xi1> to vector<8732xi32>
      %convert_element_type3A_79 = arith.sitofp %convert_element_type3A_78 : vector<8732xi32> to vector<8732xf32>
      %reduce_sum3A_80 = vector.shape_cast %convert_element_type3A_79 : vector<8732xf32> to vector<1x8732xf32>
      %reduce_sum3A_81 = arith.constant dense<0.000000e+00> : vector<1xf32>
      %reduce_sum3A_82 = vector.multi_reduction <add>, %reduce_sum3A_80, %reduce_sum3A_81 [1] : vector<1x8732xf32> to vector<1xf32>
      %reduce_sum3A_83 = vector.shape_cast %reduce_sum3A_82 : vector<1xf32> to vector<1x1xf32>
      %reduce_sum3A_84 = vector.extract %reduce_sum3A_83[0, 0] : f32 from vector<1x1xf32>
      %jit3A_85 = arith.constant 0.000000e+00 : f32
      %broadcast_in_dim3A_86 = vector.broadcast %jit3A_85 : f32 to vector<8732xf32>
      %select_n3A_87 = arith.select %gt3A_77, %select_n3A_41, %broadcast_in_dim3A_86 : vector<8732xi1>, vector<8732xf32>
      %reduce_sum3A_88 = vector.shape_cast %select_n3A_87 : vector<8732xf32> to vector<1x8732xf32>
      %reduce_sum3A_89 = arith.constant dense<0.000000e+00> : vector<1xf32>
      %reduce_sum3A_90 = vector.multi_reduction <add>, %reduce_sum3A_88, %reduce_sum3A_89 [1] : vector<1x8732xf32> to vector<1xf32>
      %reduce_sum3A_91 = vector.shape_cast %reduce_sum3A_90 : vector<1xf32> to vector<1x1xf32>
      %reduce_sum3A_92 = vector.extract %reduce_sum3A_91[0, 0] : f32 from vector<1x1xf32>
      %get3A_93 = arith.constant 1 : index
      %get3A_94 = memref.load %arg5[%get3A_93] : memref<3xf32, #tpu.memory_space<smem>>
      %gt3A_95 = arith.constant 0.000000e+00 : f32
      %gt3A_96 = arith.cmpf ogt, %mul3A_56, %gt3A_95 : f32
      %sub3A_97 = arith.subf %mul3A_56, %reduce_sum3A_84 : f32
      %mul3A_98 = arith.mulf %sub3A_97, %bitcast_convert_type3A : f32
      %add3A_99 = arith.addf %reduce_sum3A_92, %mul3A_98 : f32
      %jit3A_100 = arith.constant 0.000000e+00 : f32
      %select_n3A_101 = arith.select %gt3A_96, %add3A_99, %jit3A_100 : f32
      %add3A_102 = arith.addf %get3A_94, %select_n3A_101 : f32
      %swap3A_103 = arith.constant 1 : index
      %swap3A_104 = memref.load %arg5[%swap3A_103] : memref<3xf32, #tpu.memory_space<smem>>
      memref.store %add3A_102, %arg5[%swap3A_103] : memref<3xf32, #tpu.memory_space<smem>>
    } else {
    }
    %eq3A_66 = arith.constant 63 : i32
    %eq3A_67 = arith.cmpi eq, %arg0, %eq3A_66 : i32
    %convert_element_type3A_68 = arith.extui %eq3A_67 : i1 to i32
    %cond3A_69 = arith.constant 0 : i32
    %cond3A_70 = arith.cmpi ne, %convert_element_type3A_68, %cond3A_69 : i32
    scf.if %cond3A_70 {
      %get3A_71 = arith.constant 2 : index
      %get3A_72 = memref.load %arg5[%get3A_71] : memref<3xf32, #tpu.memory_space<smem>>
      %max3A = arith.constant 1.000000e+00 : f32
      %max3A_73 = arith.maximumf %get3A_72, %max3A : f32
      %get3A_74 = arith.constant 0 : index
      %get3A_75 = arith.constant 0 : index
      %get3A_76 = vector.load %arg3[%get3A_74, %get3A_75] : memref<64x16xf32, #tpu.memory_space<vmem>>, vector<64x16xf32>
      %reduce_sum3A_77 = vector.shape_cast %get3A_76 : vector<64x16xf32> to vector<1x64x16xf32>
      %reduce_sum3A_78 = arith.constant dense<0.000000e+00> : vector<1xf32>
      %reduce_sum3A_79 = vector.multi_reduction <add>, %reduce_sum3A_77, %reduce_sum3A_78 [1, 2] : vector<1x64x16xf32> to vector<1xf32>
      %reduce_sum3A_80 = vector.shape_cast %reduce_sum3A_79 : vector<1xf32> to vector<1x1x1xf32>
      %reduce_sum3A_81 = vector.extract %reduce_sum3A_80[0, 0, 0] : f32 from vector<1x1x1xf32>
      %get3A_82 = arith.constant 0 : index
      %get3A_83 = memref.load %arg5[%get3A_82] : memref<3xf32, #tpu.memory_space<smem>>
      %get3A_84 = arith.constant 1 : index
      %get3A_85 = memref.load %arg5[%get3A_84] : memref<3xf32, #tpu.memory_space<smem>>
      %add3A_86 = arith.addf %get3A_83, %get3A_85 : f32
      %div3A = arith.divf %add3A_86, %max3A_73 : f32
      %mul3A_87 = arith.constant 1.000000e+00 : f32
      %mul3A_88 = arith.mulf %mul3A_87, %reduce_sum3A_81 : f32
      %div3A_89 = arith.divf %mul3A_88, %max3A_73 : f32
      %add3A_90 = arith.addf %div3A, %div3A_89 : f32
      %swap3A_91 = arith.constant 0 : index
      %swap3A_92 = memref.load %arg4[%swap3A_91] : memref<1xf32, #tpu.memory_space<smem>>
      memref.store %add3A_90, %arg4[%swap3A_91] : memref<1xf32, #tpu.memory_space<smem>>
    } else {
    }
    return
  }
  func.func @transform_0(%arg0: i32) -> (i32, i32, i32) {
    %c0_i32 = arith.constant 0 : i32
    %c0_i32_0 = arith.constant 0 : i32
    %c0_i32_1 = arith.constant 0 : i32
    return %arg0, %c0_i32, %c0_i32_0 : i32, i32, i32
  }
  func.func @transform_1(%arg0: i32) -> (i32, i32, i32) {
    %c0_i32 = arith.constant 0 : i32
    %c0_i32_0 = arith.constant 0 : i32
    %c0_i32_1 = arith.constant 0 : i32
    return %arg0, %c0_i32, %c0_i32_0 : i32, i32, i32
  }
  func.func @transform_2(%arg0: i32) -> (i32, i32) {
    %c0_i32 = arith.constant 0 : i32
    %c0_i32_0 = arith.constant 0 : i32
    %c0_i32_1 = arith.constant 0 : i32
    return %c0_i32, %c0_i32_0 : i32, i32
  }
  func.func @transform_3(%arg0: i32) -> i32 {
    %c0_i32 = arith.constant 0 : i32
    %c0_i32_0 = arith.constant 0 : i32
    return %c0_i32 : i32
  }
}

</mosaic_0001>

<sc_bundles>
// kernel: kernel.4.cloned.1.call-start
scs
__scs_entry_jumppad:
0x0: {  	(pc) =	sbr.rel $0x88, $3  }
0x1: {  	(tag) =	ssettag $0x0;
	lr =	simm.s32 $0x1  }
0x2: {  	[smem:$0x3F9D] =	sst lr;
	_ =	strace $0xD0000000  }
0x3: {  	_ = 	snop  }
0x4: {  	_ = 	snop  }
0x5: {  	_ = 	snop  }
0x6: {  	_ = 	snop  }
0x7: {  	_ = 	snop  }
__scs_overlays_trampoline_lowered:
0x8: {  	[smem:$0x3FAC] =	sst s0  }
0x9: {  	[smem:$0x3FAD] =	sst s1  }
0xa: {  	[smem:$0x3FAE] =	sst s2  }
0xb: {  	[smem:$0x3FAF] =	sst s3  }
0xc: {  	[smem:$0x3FB0] =	sst s4  }
0xd: {  	[smem:$0x3FB1] =	sst s5  }
0xe: {  	[smem:$0x3FB2] =	sst s6  }
0xf: {  	[smem:$0x3FB3] =	sst s7  }
0x10: {  	[smem:$0x3FB4] =	sst s8  }
0x11: {  	[smem:$0x3FB5] =	sst s9;
	s0 =	simm.s32 @!p0 $0x0  }
0x12: {  	s1 =	sld [smem:$0x3F9B];
	s0 =	simm.s32 @p0 $0x1  }
0x13: {  	[smem:$0x3FB6] =	sst s0;
	s0 =	simm.s32 @!p1 $0x0  }
0x14: {  	s2 =	sld [smem:$0x3F9A];
	s0 =	simm.s32 @p1 $0x1  }
0x15: {  	[smem:$0x3FB7] =	sst s0;
	s0 =	simm.s32 @!p2 $0x0  }
0x16: {  	s3 =	sld [smem:$0x3FDB];
	s0 =	simm.s32 @p2 $0x1  }
0x17: {  	s4 =	simm.s32 $0x1BF5;
	[smem:$0x3FB9] =	sst s0  }
0x18: {  	s0 =	sld [smem:$0x3F9C];
	_ =	swait.ge [sflag:s4], $0x0  }
0x19: {  	s7 =	sld [smem:$0x3F9D]  }
0x1a: {  	s8 =	sadd.s32 $0xFFFFE003, lr  }
0x1b: {  	s9 =	sadd.s32 $0xFFFFFEF7, lr;
	s5 =	simm.s32 $0xFFFFFFFF;
	p2 =	slt.u32 s8, $0xFFFFF086  }
0x1c: {  	p1 =	slt.u32 s9, $0xF7A;
	s5 =	simm.s32 @!p2 $0x0  }
0x1d: {  	s5 =	simm.s32 @p1 $0x1;
	p0 =	seq.s32 s7, s2  }
0x1e: {  	s7 =	smul.u32 @!p0 $0xF7A, s2;
	p2 =	seq.s32 @!p0 s5, $0x0  }
0x1f: {  	s9 =	smul.u32 $0xF7A, s1;
	s8 =	simm.s32 @!p0 $0x1BF5;
	p2 =	por !p2, p0  }
0x20: {  	[sflag:s8] =	ssyncset.s32 @!p0 $0xFFFFF086;
	s6 =	sadd.s32 @!p0 s3, s7;
	s7 =	simm.s32 @!p0 $0x108  }
0x21: {  	s3 =	sadd.s32 s3, s9;
	s6 =	sadd.s32 @!p0 $0x88, s6;
	s7 =	simm.s32 @p2 $0x1082  }
0x22: {  	[simem:s7], [sflag:s8] =	dma.local @!p0 [hbm:s6], $0xF7A  }
0x23: {  	s9 =	sor.u32 $0xD0000000, s2;
	s6 =	simm.s32 $0x108;
	_ =	swait.ge @!p0 [sflag:s8], $0x0  }
0x24: {  	s3 =	sadd.s32 $0x88, s3;
	s6 =	simm.s32 @!p1 $0x1082;
	[sflag:s4] =	ssyncset.s32 $0xFFFFF086  }
0x25: {  	[simem:s6], [sflag:s4] =	dma.local [hbm:s3], $0xF7A  }
0x26: {  	[smem:$0x3F9D] =	sst s1;
	(tag) =	ssettag s2;
	_ =	strace s9  }
0x27: {  	s1 =	sld [smem:$0x3FAD]  }
0x28: {  	s2 =	sld [smem:$0x3FAE]  }
0x29: {  	s4 =	sld [smem:$0x3FB0]  }
0x2a: {  	p0 =	seq.s32 s5, $0x0;
	s5 =	sld [smem:$0x3FB1]  }
0x2b: {  	s6 =	sld [smem:$0x3FB2]  }
0x2c: {  	s7 =	sld [smem:$0x3FB3]  }
0x2d: {  	s3 =	simm.s32 $0x108;
	s8 =	sld [smem:$0x3FB4]  }
0x2e: {  	s3 =	simm.s32 @!p0 $0x1082;
	s9 =	sld [smem:$0x3FB5]  }
0x2f: {  	lr =	sadd.s32 s0, s3;
	s0 =	sld [smem:$0x3FAC]  }
0x30: {  	s3 =	sld [smem:$0x3FAF]  }
0x31: {  	[smem:$0x3FB8] =	sst s10  }
0x32: {  	s10 =	sld [smem:$0x3FB6];
	_ =	sdelay $0x3  }
0x33: {  	p0 =	seq.s32 s10, $0x1;
	s10 =	sld [smem:$0x3FB8];
	_ =	sdelay $0x3  }
0x34: {  	[smem:$0x3FB8] =	sst s10  }
0x35: {  	s10 =	sld [smem:$0x3FB7];
	_ =	sdelay $0x3  }
0x36: {  	p1 =	seq.s32 s10, $0x1;
	s10 =	sld [smem:$0x3FB8];
	_ =	sdelay $0x3  }
0x37: {  	[smem:$0x3FB8] =	sst s10  }
0x38: {  	s10 =	sld [smem:$0x3FB9]  }
0x39: {  	_ = 	snop;
	(pc) =	sbr.ind lr, $3  }
0x3a: {  	_ = 	snop  }
0x3b: {  	_ = 	snop  }
0x3c: {  	p2 =	seq.s32 s10, $0x1;
	s10 =	sld [smem:$0x3FB8]  }
0x3d: {  	_ =	shalt  }
0x3e: {  	_ =	shalt  }
0x3f: {  	_ =	shalt  }
0x40: {  	_ =	shalt  }
0x41: {  	_ =	shalt  }
0x42: {  	_ =	shalt  }
0x43: {  	_ =	shalt  }
0x44: {  	_ =	shalt  }
0x45: {  	_ =	shalt  }
0x46: {  	_ =	shalt  }
0x47: {  	_ =	shalt  }
0x48: {  	_ =	shalt  }
0x49: {  	_ =	shalt  }
0x4a: {  	_ =	shalt  }
0x4b: {  	_ =	shalt  }
0x4c: {  	_ =	shalt  }
0x4d: {  	_ =	shalt  }
0x4e: {  	_ =	shalt  }
0x4f: {  	_ =	shalt  }
0x50: {  	_ =	shalt  }
0x51: {  	_ =	shalt  }
0x52: {  	_ =	shalt  }
0x53: {  	_ =	shalt  }
0x54: {  	_ =	shalt  }
0x55: {  	_ =	shalt  }
0x56: {  	_ =	shalt  }
0x57: {  	_ =	shalt  }
0x58: {  	_ =	shalt  }
0x59: {  	_ =	shalt  }
0x5a: {  	_ =	shalt  }
0x5b: {  	_ =	shalt  }
0x5c: {  	_ =	shalt  }
0x5d: {  	_ =	shalt  }
0x5e: {  	_ =	shalt  }
0x5f: {  	_ =	shalt  }
0x60: {  	_ =	shalt  }
0x61: {  	_ =	shalt  }
0x62: {  	_ =	shalt  }
0x63: {  	_ =	shalt  }
0x64: {  	_ =	shalt  }
0x65: {  	_ =	shalt  }
0x66: {  	_ =	shalt  }
0x67: {  	_ =	shalt  }
0x68: {  	_ =	shalt  }
0x69: {  	_ =	shalt  }
0x6a: {  	_ =	shalt  }
0x6b: {  	_ =	shalt  }
0x6c: {  	_ =	shalt  }
0x6d: {  	_ =	shalt  }
0x6e: {  	_ =	shalt  }
0x6f: {  	_ =	shalt  }
0x70: {  	_ =	shalt  }
0x71: {  	_ =	shalt  }
0x72: {  	_ =	shalt  }
0x73: {  	_ =	shalt  }
0x74: {  	_ =	shalt  }
0x75: {  	_ =	shalt  }
0x76: {  	_ =	shalt  }
0x77: {  	_ =	shalt  }
0x78: {  	_ =	shalt  }
0x79: {  	_ =	shalt  }
0x7a: {  	_ =	shalt  }
0x7b: {  	_ =	shalt  }
0x7c: {  	_ =	shalt  }
0x7d: {  	_ =	shalt  }
0x7e: {  	_ =	shalt  }
0x7f: {  	_ =	shalt  }
0x80: {  	_ =	shalt  }
0x81: {  	_ =	shalt  }
0x82: {  	_ =	shalt  }
0x83: {  	_ =	shalt  }
0x84: {  	_ =	shalt  }
0x85: {  	_ =	shalt  }
0x86: {  	_ =	shalt  }
0x87: {  	_ =	shalt  }
.Lfunc_end0:
.L_simem_size_0:
called_computation_lowered:
.L_overlay_start_0:
0x88: {  	s2 =	sld [smem:$0x3FD9]  }
0x89: {  	s3 =	sld [smem:$0x3FFE];
	_ =	sdelay $0x1  }
0x8a: {  	s1 =	srdreg.scid  }
0x8b: {  	s0 =	sand.u32 $0x1, s1  }
0x8c: {  	s16 =	sshll.u32 s0, $0xA;
	s2 =	sadd.s32 s3, s2  }
0x8d: {  	s2 =	sadd.s32 s2, s16  }
0x8e: {  	[smem:$0x3FC4] =	sst s2  }
0x8f: {  	_ = 	snop  }
0x90: {  	(tm) =	ssettm $0x1  }
0x91: {  	s17 =	sld [smem:$0x3FFB];
	_ =	sdelay $0x3  }
0x92: {  	_ =	strace s17  }
0x93: {  	s2 =	sld [smem:$0x3FFC];
	_ =	sdelay $0x3  }
0x94: {  	_ =	strace s2  }
0x95: {  	s2 =	sld [smem:$0x3FFD];
	_ =	sdelay $0x3  }
0x96: {  	_ =	strace s2  }
0x97: {  	_ =	strace $0x8FFFFFFF  }
0x98: {  	s18 =	sld [smem:$0x3FDB];
	_ =	sdelay $0x1  }
0x99: {  	s19 =	simm.s32 $_scs_section_size  }
0x9a: {  	s4 =	simm.s32 $_size__tile_overlayer_lowered;
	s5 =	simm.s32 $_tile_overlayer_lowered  }
0x9b: {  	s22 =	simm.s32 $0x1BFF;
	s21 =	sshll.u32 s5, $0x1;
	s2 =	sadd.s32 s19, s18  }
0x9c: {  	s6 =	simm.s32 $0x0;
	s20 =	sshll.u32 s4, $0x1;
	s4 =	sadd.s32 s21, s2  }
0x9d: {  	[timem:s6], [sflag:s22] =	dma.local [hbm:s4], s20  }
0x9e: {  	_ =	swait.ge [sflag:s22], s20  }
0x9f: {  	s3 =	ssub.s32 $0x0, s20;
	[sflag:s22] =	ssyncset.done $0x0  }
0xa0: {  	[sflag:s22] =	ssyncadd.s32 s3;
	_ =	sdelay $0x1  }
0xa1: {  	s23 =	simm.s32 $0x1B8B  }
0xa2: {  	_ =	swait.ge [sflag:s23], $0x1  }
0xa3: {  	[sflag:s23] =	ssyncset.done $0x0  }
0xa4: {  	s25 =	simm.s32 $0x1B8E;
	s24 =	sld [smem:$0x3FFE];
	[sflag:s23] =	ssyncadd.s32 $0xFFFFFFFF  }
0xa5: {  	s26 =	simm.s32 $execute0_lowered;
	[smem:$0x3FD2] =	sst s25  }
0xa6: {  	s4 =	sshll.u32 s26, $0x1;
	_ =	strace $0x80000046;
	[dreg:$0x1] =	wrdreg $0xFFFFFFFF  }
0xa7: {  	s28 =	simm.s32 $_size_execute0_lowered;
	s2 =	sadd.s32 s2, s4;
	[dreg:$0x0] =	wrdreg $0x0  }
0xa8: {  	s4 =	sshll.u32 s28, $0x1;
	[dreg:$0x2] =	wrdreg s2  }
0xa9: {  	[dreg:$0x3] =	wrdreg s4  }
0xaa: {  	[dreg:$0x4] =	wrdreg $0xC0  }
0xab: {  	_ =	task [dreg:s6], $0x5FFFF  }
0xac: {  	[dreg:$0x1] =	wrdreg $0xFFFFFFFF  }
0xad: {  	[dreg:$0x0] =	wrdreg $0x60  }
0xae: {  	[dreg:$0x2] =	wrdreg s24  }
0xaf: {  	[dreg:$0x3] =	wrdreg $0x9  }
0xb0: {  	_ =	task.clear_ibuf [dreg:s6], $0x4FFFF;
	_ =	strace $0x90000046  }
0xb1: {  	s29 =	simm.s32 $0x9;
	_ =	strace $0x80000048  }
0xb2: {  	_ =	swait.ge [sflag:s29], $0x1  }
0xb3: {  	[sflag:s29] =	ssyncadd.s32 $0xFFFFFFFF  }
0xb4: {  	_ =	strace $0x90000048  }
0xb5: {  	_ =	sfence  }
0xb6: {  	s30 =	sld [smem:$0x0];
	_ =	sdelay $0x2  }
0xb7: {  	s31 =	sshll.u32 s1, $0xD;
	s1 =	sshrl.u32 s1, $0x2  }
0xb8: {  	s3 =	sand.u32 $0x4000, s31;
	s1 =	sadd.s32 s1, s30  }
0xb9: {  	s0 =	sor.u32 s3, s0;
	s1 =	sshll.u32 s1, $0x11  }
0xba: {  	s0 =	sor.u32 s1, s0  }
0xbb: {  	s0 =	sadd.s32 $0x8F2B, s0  }
0xbc: {  	[sflag:s0] =	ssyncadd.remote.s32 $0x1  }
0xbd: {  	_ =	sfence.sel $0xFFFF  }
0xbe: {  	[dreg:$0x0] =	wrdreg $0xFFFFFFFF;
	(pc) =	sbr.abs _section_cstart, $3  }
0xbf: {  	[dreg:$0x1] =	wrdreg $0xFFFFFFFF  }
0xc0: {  	_ =	task.clear_ibuf [dreg:s6], $0x2FFFF;
	_ =	strace $0x9FFFFFFF  }
0xc1: {  	(tm) =	ssettm $0x7FFFFFFF  }
tec
execute0_lowered:
.L_overlay_start_1:
0x0: {  	(tag) =	ssettag $0x1  }
0x1: {  	s3 =	rddreg [dreg:$0x0]  }
0x2: {  	s0 =	rddreg [dreg:$0x1];
	s2 =	simm.s32 $0x0;
	s4 =	srdreg.scid  }
0x3: {  	s1 =	stileid.u32;
	s14 =	simm.s32 $0x8880;
	s15 =	simm.s32 $0x15580  }
0x4: {  	s16 =	simm.s32 $0x0;
	[smem:$0x7FF] =	sst s2;
	s4 =	sand.u32 $0x1, s4  }
0x5: {  	s5 =	sshll.u32 s1, $0x1;
	s7 =	sadd.s32 $0x12600, s3;
	s8 =	sshrl.u32 s1, $0x1  }
0x6: {  	s9 =	sadd.s32 $0x56A00, s3;
	s12 =	sadd.s32 $0x9AE00, s3;
	_ =	strace $0x80000047  }
0x7: {  	s5 =	sor.u32 s4, s5;
	s10 =	smul.u32 $0x44400, s8;
	s4 =	ssub.s32 $0x2, s4  }
0x8: {  	s6 =	smul.u32 $0x887, s5;
	s5 =	sshll.u32 s5, $0x8;
	s28 =	sshrl.u32 s4, $0x1  }
0x9: {  	s29 =	sshll.u32 s8, $0xA;
	s11 =	sand.u32 $0x300, s5;
	s13 =	ssub.s32 s4, s28  }
0xa: {  	s6 =	sadd.s32 s6, s3;
	s5 =	sor.u32 s10, s11;
	s30 =	sor.u32 $0x80, s11  }
0xb: {  	s11 =	sor.u32 s29, s11;
	s3 =	sadd.s32 $0x1400, s6;
	s5 =	sshrl.u32 s5, $0x3  }
0xc: {  	s10 =	sor.u32 s10, s30;
	s11 =	sshrl.u32 s11, $0x3;
	s8 =	sor.u32 s29, s30  }
0xd: {  	s4 =	sadd.s32 s7, s5;
	s5 =	sadd.s32 s9, s5;
	s10 =	sshrl.u32 s10, $0x3  }
0xe: {  	v0 =	vlaneseq.u32;
	s6 =	sadd.s32 s12, s11;
	s31 =	sshrl.u32 s8, $0x3;
	s11 =	simm.s32 $0x1  }
0xf: {  	v0 =	vshrl.u32 v0, $0x2;
	s7 =	sadd.s32 s7, s10;
	s8 =	sadd.s32 s9, s10;
	s9 =	sadd.s32 s12, s31  }
0x10: {  	v1 =	vor.u32 $0x4, v0;
	v2 =	vor.u32 $0x8, v0;
	v3 =	vor.u32 $0xC, v0;
	s10 =	smax.u32 s13, $0x1;
	s12 =	simm.s32 $0x80;
	s13 =	simm.s32 $0x400  }
.LBB2_1:
0x11: {  	s17 =	simm.s32 $0x11100  }
0x12: {  	[tilespmem:s17], [sflag:$0x1] =	stream.linear.gather [hbm4b:s3+s2], $0x4438, $0x38;
	[tilespmem:$0x15600] =	vst v63  }
0x13: {  	_ =	swait.ge [sflag:s11], $0x4438  }
0x14: {  	[sflag:s11] =	ssyncset.done $0x0  }
0x15: {  	[sflag:s11] =	ssyncadd.s32 $0xFFFFBBC8  }
0x16: {  	[tilespmem:s2], [sflag:$0x1] =	stream.strided.gather [hbm4b:s4+s12], $0x8880, s13, s12, $0x38;
	[tilespmem:$0x15600] =	vst v63  }
0x17: {  	_ =	swait.ge [sflag:s11], $0x8880  }
0x18: {  	[sflag:s11] =	ssyncset.done $0x0  }
0x19: {  	[sflag:s11] =	ssyncadd.s32 $0xFFFF7780  }
0x1a: {  	[tilespmem:s14], [sflag:$0x1] =	stream.strided.gather [hbm4b:s5+s12], $0x8880, s13, s12, $0x38;
	[tilespmem:$0x15600] =	vst v63  }
0x1b: {  	_ =	swait.ge [sflag:s11], $0x8880  }
0x1c: {  	[sflag:s11] =	ssyncset.done $0x0  }
0x1d: {  	[sflag:s11] =	ssyncadd.s32 $0xFFFF7780  }
0x1e: {  	s31 =	simm.s32 $0x0;
	v5 =	vld [tilespmem:s17+$0x0]  }
0x1f: {  	v6 =	vld [tilespmem:s31+$0x30]  }
0x20: {  	v7 =	vld [tilespmem:s31+$0x88B0]  }
0x21: {  	v8 =	vld [tilespmem:s31+$0x20]  }
0x22: {  	v9 =	vld [tilespmem:s31+$0x88A0]  }
0x23: {  	v10 =	vld [tilespmem:s31+$0x0]  }
0x24: {  	v11 =	vld [tilespmem:s31+$0x8880]  }
0x25: {  	v12 =	vld [tilespmem:s31+$0x10]  }
0x26: {  	v13 =	vld [tilespmem:s31+$0x8890];
	_ =	sdelay $0x1  }
0x27: {  	v15 =	vimm.f32 $0.0e+00;
	v14 =	vperm.xlane v5, v2  }
0x28: {  	v4 =	vperm.xlane v5, v3;
	v10 =	vsub.f32 v10, v11;
	v11 =	vperm.xlane v5, v1  }
0x29: {  	v5 =	vperm.xlane v5, v0;
	v8 =	vsub.f32 v8, v9;
	v6 =	vsub.f32 v6, v7  }
0x2a: {  	v7 =	vsub.f32 v12, v13;
	v10 =	vand.u32 $0x7FFFFFFF, v10;
	vm0 =	veq.s32 v14, $0x0  }
0x2b: {  	s17 =	simm.s32 $0x11110;
	vm2 =	veq.s32 v5, $0x0;
	vm1 =	veq.s32 v11, $0x0;
	v12 =	vmul.f32 $5.000000000e-01, v10  }
0x2c: {  	s18 =	simm.s32 $0x40;
	v5 =	vld [tilespmem:s17+$0x0];
	v14 =	vand.u32 $0x7FFFFFFF, v7;
	v11 =	vand.u32 $0x7FFFFFFF, v8;
	v9 =	vand.u32 $0x7FFFFFFF, v6  }
0x2d: {  	v6 =	vld [tilespmem:s18+$0x30];
	v16 =	vadd.f32 $-5.000000000e-01, v10;
	v17 =	vmul.f32 $5.000000000e-01, v14;
	v12 =	vmul.f32 v12, v10  }
0x2e: {  	v7 =	vld [tilespmem:s18+$0x88B0];
	vm3 =	vlt.f32 v10, $1.000000000e+00;
	v18 =	vadd.f32 $-5.000000000e-01, v14;
	v13 =	vadd.f32 $-5.000000000e-01, v11  }
0x2f: {  	v8 =	vld [tilespmem:s18+$0x20];
	v19 =	vmul.f32 $5.000000000e-01, v11;
	v12 =	vsel vm3, v12, v16;
	v16 =	vmul.f32 v17, v14  }
0x30: {  	v10 =	vld [tilespmem:s18+$0x88A0];
	v17 =	vsel vm2, $0x0, v12;
	vm2 =	vlt.f32 v14, $1.000000000e+00;
	v14 =	vmul.f32 $5.000000000e-01, v9  }
0x31: {  	s19 =	simm.s32 $0x200;
	v12 =	vld [tilespmem:s18+$0x0];
	v15 =	vadd.f32 v17, v15;
	v17 =	vsel vm2, v16, v18;
	v16 =	vmul.f32 v19, v11  }
.LBB2_2:
0x32: {  	p0 =	sne.s32 s19, $0x22000;
	v18 =	vld [tilespmem:s18+$0x8880];
	v17 =	vsel vm1, $0x0, v17;
	vm1 =	vlt.f32 v11, $1.000000000e+00;
	v11 =	vadd.f32 $-5.000000000e-01, v9  }
0x33: {  	v14 =	vmul.f32 v14, v9;
	v19 =	vld [tilespmem:s18+$0x10];
	v15 =	vadd.f32 v17, v15;
	v13 =	vsel vm1, v16, v13  }
0x34: {  	v16 =	vld [tilespmem:s18+$0x8890];
	v13 =	vsel vm0, $0x0, v13;
	vm0 =	vlt.f32 v9, $1.000000000e+00  }
0x35: {  	v9 =	vadd.f32 v13, v15;
	v11 =	vsel vm0, v14, v11;
	vm0 =	veq.s32 v4, $0x0  }
0x36: {  	v13 =	vperm.xlane v5, v2;
	v4 =	vperm.xlane v5, v3;
	v11 =	vsel vm0, $0x0, v11  }
0x37: {  	v14 =	vperm.xlane v5, v1;
	v12 =	vsub.f32 v12, v18;
	v15 =	vadd.f32 v11, v9  }
0x38: {  	v6 =	vsub.f32 v6, v7;
	v5 =	vperm.xlane v5, v0;
	v8 =	vsub.f32 v8, v10  }
0x39: {  	vm0 =	veq.s32 v13, $0x0;
	v10 =	vand.u32 $0x7FFFFFFF, v12;
	v7 =	vsub.f32 v19, v16  }
0x3a: {  	s17 =	sadd.s32 $0x10, s17;
	vm2 =	veq.s32 v5, $0x0;
	vm1 =	veq.s32 v14, $0x0;
	v12 =	vmul.f32 $5.000000000e-01, v10  }
0x3b: {  	s18 =	sshra.s32 s19, $0x2;
	v11 =	vand.u32 $0x7FFFFFFF, v8;
	v9 =	vand.u32 $0x7FFFFFFF, v6;
	v5 =	vld [tilespmem:s17+$0x0];
	v14 =	vand.u32 $0x7FFFFFFF, v7  }
.Ltmp0:
0x3c: {  	v16 =	vadd.f32 $-5.000000000e-01, v10;
	v6 =	vld [tilespmem:s18+$0x30];
	v12 =	vmul.f32 v12, v10;
	v17 =	vmul.f32 $5.000000000e-01, v14;
	(pc) =	sbr.rel @p0 .LBB2_2-.Ltmp0, $4  }
0x3d: {  	v13 =	vadd.f32 $-5.000000000e-01, v11;
	vm3 =	vlt.f32 v10, $1.000000000e+00;
	v18 =	vadd.f32 $-5.000000000e-01, v14;
	v7 =	vld [tilespmem:s18+$0x88B0]  }
0x3e: {  	v19 =	vmul.f32 $5.000000000e-01, v11;
	v8 =	vld [tilespmem:s18+$0x20];
	v12 =	vsel vm3, v12, v16;
	v16 =	vmul.f32 v17, v14  }
0x3f: {  	v10 =	vld [tilespmem:s18+$0x88A0];
	v17 =	vsel vm2, $0x0, v12;
	vm2 =	vlt.f32 v14, $1.000000000e+00;
	v14 =	vmul.f32 $5.000000000e-01, v9  }
0x40: {  	s19 =	sadd.s32 $0x100, s19;
	v12 =	vld [tilespmem:s18+$0x0];
	v15 =	vadd.f32 v17, v15;
	v17 =	vsel vm2, v16, v18;
	v16 =	vmul.f32 v19, v11  }
0x41: {  	v18 =	vld [tilespmem:s18+$0x8880];
	v17 =	vsel vm1, $0x0, v17;
	vm1 =	vlt.f32 v11, $1.000000000e+00  }
0x42: {  	v19 =	vld [tilespmem:s18+$0x10];
	v15 =	vadd.f32 v17, v15;
	v13 =	vsel vm1, v16, v13  }
0x43: {  	v11 =	vadd.f32 $-5.000000000e-01, v9;
	v14 =	vmul.f32 v14, v9;
	v16 =	vld [tilespmem:s18+$0x8890];
	v13 =	vsel vm0, $0x0, v13  }
0x44: {  	v6 =	vsub.f32 v6, v7;
	vm0 =	vlt.f32 v9, $1.000000000e+00;
	v9 =	vadd.f32 v13, v15  }
0x45: {  	v11 =	vsel vm0, v14, v11;
	vm0 =	veq.s32 v4, $0x0;
	v4 =	vperm.xlane v5, v2  }
0x46: {  	v13 =	vperm.xlane v5, v3;
	v14 =	vperm.xlane v5, v1;
	v12 =	vsub.f32 v12, v18  }
0x47: {  	v5 =	vperm.xlane v5, v0;
	v8 =	vsub.f32 v8, v10;
	v6 =	vand.u32 $0x7FFFFFFF, v6  }
0x48: {  	v11 =	vsel vm0, $0x0, v11;
	v10 =	vsub.f32 v19, v16;
	v7 =	vand.u32 $0x7FFFFFFF, v12  }
0x49: {  	v9 =	vadd.f32 v11, v9;
	vm0 =	veq.s32 v4, $0x0;
	v4 =	vmul.f32 $5.000000000e-01, v7  }
0x4a: {  	vm1 =	veq.s32 v5, $0x0;
	vm2 =	veq.s32 v14, $0x0;
	v5 =	vand.u32 $0x7FFFFFFF, v10  }
0x4b: {  	v14 =	vld [tilespmem:$0x110C0];
	v10 =	vadd.f32 $-5.000000000e-01, v7;
	v11 =	vmul.f32 $5.000000000e-01, v5;
	v4 =	vmul.f32 v4, v7  }
0x4c: {  	v8 =	vand.u32 $0x7FFFFFFF, v8;
	v12 =	vld [tilespmem:$0x8840];
	vm3 =	vlt.f32 v7, $1.000000000e+00;
	v7 =	vadd.f32 $-5.000000000e-01, v5  }
0x4d: {  	v4 =	vsel vm3, v4, v10;
	v10 =	vmul.f32 v11, v5;
	v11 =	vmul.f32 $5.000000000e-01, v8  }
0x4e: {  	v15 =	vadd.f32 $-5.000000000e-01, v8;
	v4 =	vsel vm1, $0x0, v4;
	vm1 =	vlt.f32 v5, $1.000000000e+00  }
0x4f: {  	v4 =	vadd.f32 v4, v9;
	v5 =	vsel vm1, v10, v7;
	v7 =	vmul.f32 v11, v8;
	v9 =	vld [tilespmem:$0x8850]  }
0x50: {  	v10 =	vmul.f32 $5.000000000e-01, v6;
	vm1 =	vlt.f32 v8, $1.000000000e+00;
	v8 =	vld [tilespmem:$0x110D0];
	v5 =	vsel vm2, $0x0, v5  }
0x51: {  	v12 =	vsub.f32 v12, v14;
	v4 =	vadd.f32 v5, v4;
	v5 =	vsel vm1, v7, v15;
	v7 =	vld [tilespmem:$0x1330C]  }
0x52: {  	v14 =	vld [tilespmem:$0x8860];
	v11 =	vadd.f32 $-5.000000000e-01, v6;
	v10 =	vmul.f32 v10, v6;
	v5 =	vsel vm0, $0x0, v5  }
0x53: {  	vm0 =	vlt.f32 v6, $1.000000000e+00;
	v4 =	vadd.f32 v5, v4;
	v5 =	vld [tilespmem:$0x110E0]  }
0x54: {  	v6 =	vsel vm0, v10, v11;
	vm0 =	veq.s32 v13, $0x0;
	v10 =	vand.u32 $0x7FFFFFFF, v12  }
0x55: {  	v6 =	vsel vm0, $0x0, v6;
	v11 =	vmul.f32 $5.000000000e-01, v10;
	v8 =	vsub.f32 v9, v8  }
0x56: {  	v4 =	vadd.f32 v6, v4;
	v6 =	vperm.xlane v7, v1  }
0x57: {  	v9 =	vmul.f32 v11, v10;
	v11 =	vadd.f32 $-5.000000000e-01, v10;
	v8 =	vand.u32 $0x7FFFFFFF, v8  }
0x58: {  	vm0 =	vlt.f32 v10, $1.000000000e+00;
	v10 =	vmul.f32 $5.000000000e-01, v8;
	v5 =	vsub.f32 v14, v5  }
0x59: {  	v9 =	vsel vm0, v9, v11;
	vm0 =	veq.s32 v6, $0x0;
	v6 =	vperm.xlane v7, v2  }
0x5a: {  	v11 =	vadd.f32 $-5.000000000e-01, v8;
	v10 =	vmul.f32 v10, v8;
	v5 =	vand.u32 $0x7FFFFFFF, v5  }
0x5b: {  	v9 =	vsel vm0, $0x0, v9;
	vm0 =	vlt.f32 v8, $1.000000000e+00;
	v8 =	vmul.f32 $5.000000000e-01, v5  }
0x5c: {  	v4 =	vadd.f32 v9, v4;
	v9 =	vsel vm0, v10, v11;
	vm0 =	veq.s32 v6, $0x0  }
0x5d: {  	v6 =	vperm.xlane v7, v3;
	v7 =	vmul.f32 v8, v5;
	v8 =	vadd.f32 $-5.000000000e-01, v5  }
0x5e: {  	v9 =	vsel vm0, $0x0, v9;
	vm0 =	vlt.f32 v5, $1.000000000e+00  }
0x5f: {  	v4 =	vadd.f32 v9, v4;
	v5 =	vsel vm0, v7, v8;
	vm0 =	veq.s32 v6, $0x0  }
0x60: {  	v5 =	vsel vm0, $0x0, v5  }
0x61: {  	v4 =	vadd.f32 v5, v4;
	_ =	sdelay $0x1  }
0x62: {  	s17 =	simm.s32 $0x0;
	[tilespmem:$0x15580] =	vst v4  }
0x63: {  	[hbm4b:s6+s17] =	stream.linear.scatter [tilespmem:s15], [sflag:$0x1], $0x80, $0x38;
	[tilespmem:$0x15600] =	vst v63  }
0x64: {  	_ =	swait.ge [sflag:s11], $0x80  }
0x65: {  	[sflag:s11] =	ssyncset.done $0x0  }
0x66: {  	[sflag:s11] =	ssyncadd.s32 $0xFFFFFF80  }
0x67: {  	[tilespmem:s17], [sflag:$0x1] =	stream.strided.gather [hbm4b:s7+s12], $0x8880, s13, s12, $0x38;
	[tilespmem:$0x15600] =	vst v63  }
0x68: {  	_ =	swait.ge [sflag:s11], $0x8880  }
0x69: {  	[sflag:s11] =	ssyncset.done $0x0  }
0x6a: {  	[sflag:s11] =	ssyncadd.s32 $0xFFFF7780  }
0x6b: {  	[tilespmem:s14], [sflag:$0x1] =	stream.strided.gather [hbm4b:s8+s12], $0x8880, s13, s12, $0x38;
	[tilespmem:$0x15600] =	vst v63  }
0x6c: {  	_ =	swait.ge [sflag:s11], $0x8880  }
0x6d: {  	[sflag:s11] =	ssyncset.done $0x0  }
0x6e: {  	s30 =	simm.s32 $0x1331C;
	[sflag:s11] =	ssyncadd.s32 $0xFFFF7780  }
0x6f: {  	s31 =	simm.s32 $0x0;
	v5 =	vld [tilespmem:s30+$0x0]  }
0x70: {  	v6 =	vld [tilespmem:s31+$0x30]  }
0x71: {  	v7 =	vld [tilespmem:s31+$0x88B0]  }
0x72: {  	v8 =	vld [tilespmem:s31+$0x20]  }
0x73: {  	v9 =	vld [tilespmem:s31+$0x88A0]  }
0x74: {  	v10 =	vld [tilespmem:s31+$0x0]  }
0x75: {  	v11 =	vld [tilespmem:s31+$0x8880]  }
0x76: {  	v12 =	vld [tilespmem:s31+$0x10]  }
0x77: {  	v13 =	vld [tilespmem:s31+$0x8890];
	_ =	sdelay $0x1  }
0x78: {  	v15 =	vimm.f32 $0.0e+00;
	v14 =	vperm.xlane v5, v2  }
0x79: {  	v4 =	vperm.xlane v5, v3;
	v10 =	vsub.f32 v10, v11;
	v11 =	vperm.xlane v5, v1  }
0x7a: {  	v5 =	vperm.xlane v5, v0;
	v8 =	vsub.f32 v8, v9;
	v6 =	vsub.f32 v6, v7  }
0x7b: {  	v7 =	vsub.f32 v12, v13;
	v10 =	vand.u32 $0x7FFFFFFF, v10;
	vm0 =	veq.s32 v14, $0x0  }
0x7c: {  	s17 =	simm.s32 $0x1332C;
	vm2 =	veq.s32 v5, $0x0;
	vm1 =	veq.s32 v11, $0x0;
	v12 =	vmul.f32 $5.000000000e-01, v10  }
0x7d: {  	s18 =	simm.s32 $0x40;
	v5 =	vld [tilespmem:s17+$0x0];
	v14 =	vand.u32 $0x7FFFFFFF, v7;
	v11 =	vand.u32 $0x7FFFFFFF, v8;
	v9 =	vand.u32 $0x7FFFFFFF, v6  }
0x7e: {  	v6 =	vld [tilespmem:s18+$0x30];
	v16 =	vadd.f32 $-5.000000000e-01, v10;
	v17 =	vmul.f32 $5.000000000e-01, v14;
	v12 =	vmul.f32 v12, v10  }
0x7f: {  	v7 =	vld [tilespmem:s18+$0x88B0];
	vm3 =	vlt.f32 v10, $1.000000000e+00;
	v18 =	vadd.f32 $-5.000000000e-01, v14;
	v13 =	vadd.f32 $-5.000000000e-01, v11  }
0x80: {  	v8 =	vld [tilespmem:s18+$0x20];
	v19 =	vmul.f32 $5.000000000e-01, v11;
	v12 =	vsel vm3, v12, v16;
	v16 =	vmul.f32 v17, v14  }
0x81: {  	v10 =	vld [tilespmem:s18+$0x88A0];
	v17 =	vsel vm2, $0x0, v12;
	vm2 =	vlt.f32 v14, $1.000000000e+00;
	v14 =	vmul.f32 $5.000000000e-01, v9  }
0x82: {  	s19 =	simm.s32 $0x200;
	v12 =	vld [tilespmem:s18+$0x0];
	v15 =	vadd.f32 v17, v15;
	v17 =	vsel vm2, v16, v18;
	v16 =	vmul.f32 v19, v11  }
.LBB2_4:
0x83: {  	p0 =	sne.s32 s19, $0x22000;
	v18 =	vld [tilespmem:s18+$0x8880];
	v17 =	vsel vm1, $0x0, v17;
	vm1 =	vlt.f32 v11, $1.000000000e+00;
	v11 =	vadd.f32 $-5.000000000e-01, v9  }
0x84: {  	v14 =	vmul.f32 v14, v9;
	v19 =	vld [tilespmem:s18+$0x10];
	v15 =	vadd.f32 v17, v15;
	v13 =	vsel vm1, v16, v13  }
0x85: {  	v16 =	vld [tilespmem:s18+$0x8890];
	v13 =	vsel vm0, $0x0, v13;
	vm0 =	vlt.f32 v9, $1.000000000e+00  }
0x86: {  	v9 =	vadd.f32 v13, v15;
	v11 =	vsel vm0, v14, v11;
	vm0 =	veq.s32 v4, $0x0  }
0x87: {  	v13 =	vperm.xlane v5, v2;
	v4 =	vperm.xlane v5, v3;
	v11 =	vsel vm0, $0x0, v11  }
0x88: {  	v14 =	vperm.xlane v5, v1;
	v12 =	vsub.f32 v12, v18;
	v15 =	vadd.f32 v11, v9  }
0x89: {  	v6 =	vsub.f32 v6, v7;
	v5 =	vperm.xlane v5, v0;
	v8 =	vsub.f32 v8, v10  }
0x8a: {  	vm0 =	veq.s32 v13, $0x0;
	v10 =	vand.u32 $0x7FFFFFFF, v12;
	v7 =	vsub.f32 v19, v16  }
0x8b: {  	s17 =	sadd.s32 $0x10, s17;
	vm2 =	veq.s32 v5, $0x0;
	vm1 =	veq.s32 v14, $0x0;
	v12 =	vmul.f32 $5.000000000e-01, v10  }
0x8c: {  	s18 =	sshra.s32 s19, $0x2;
	v11 =	vand.u32 $0x7FFFFFFF, v8;
	v9 =	vand.u32 $0x7FFFFFFF, v6;
	v5 =	vld [tilespmem:s17+$0x0];
	v14 =	vand.u32 $0x7FFFFFFF, v7  }
.Ltmp1:
0x8d: {  	v16 =	vadd.f32 $-5.000000000e-01, v10;
	v6 =	vld [tilespmem:s18+$0x30];
	v12 =	vmul.f32 v12, v10;
	v17 =	vmul.f32 $5.000000000e-01, v14;
	(pc) =	sbr.rel @p0 .LBB2_4-.Ltmp1, $4  }
0x8e: {  	v13 =	vadd.f32 $-5.000000000e-01, v11;
	vm3 =	vlt.f32 v10, $1.000000000e+00;
	v18 =	vadd.f32 $-5.000000000e-01, v14;
	v7 =	vld [tilespmem:s18+$0x88B0]  }
0x8f: {  	v19 =	vmul.f32 $5.000000000e-01, v11;
	v8 =	vld [tilespmem:s18+$0x20];
	v12 =	vsel vm3, v12, v16;
	v16 =	vmul.f32 v17, v14  }
0x90: {  	v10 =	vld [tilespmem:s18+$0x88A0];
	v17 =	vsel vm2, $0x0, v12;
	vm2 =	vlt.f32 v14, $1.000000000e+00;
	v14 =	vmul.f32 $5.000000000e-01, v9  }
0x91: {  	s19 =	sadd.s32 $0x100, s19;
	v12 =	vld [tilespmem:s18+$0x0];
	v15 =	vadd.f32 v17, v15;
	v17 =	vsel vm2, v16, v18;
	v16 =	vmul.f32 v19, v11  }
0x92: {  	v18 =	vld [tilespmem:s18+$0x8880]  }
0x93: {  	v17 =	vsel vm1, $0x0, v17;
	vm11 =	vlt.f32 v11, $1.000000000e+00;
	v29 =	vadd.f32 $-5.000000000e-01, v9;
	v19 =	vld [tilespmem:s18+$0x10]  }
0x94: {  	v14 =	vmul.f32 v14, v9;
	v30 =	vld [tilespmem:s18+$0x8890];
	vm13 =	veq.s32 v4, $0x0;
	v4 =	vperm.xlane v5, v2  }
0x95: {  	vm12 =	vlt.f32 v9, $1.000000000e+00;
	v32 =	vperm.xlane v5, v3;
	v33 =	vperm.xlane v5, v1  }
0x96: {  	v5 =	vperm.xlane v5, v0;
	v15 =	vadd.f32 v17, v15;
	v13 =	vsel vm11, v16, v13  }
0x97: {  	v6 =	vsub.f32 v6, v7;
	v13 =	vsel vm0, $0x0, v13;
	v12 =	vsub.f32 v12, v18  }
0x98: {  	v11 =	vsel vm12, v14, v29;
	vm14 =	veq.s32 v4, $0x0;
	vm15 =	veq.s32 v5, $0x0  }
0x99: {  	v8 =	vsub.f32 v8, v10;
	v35 =	vsub.f32 v19, v30;
	v34 =	vand.u32 $0x7FFFFFFF, v12  }
0x9a: {  	vm2 =	veq.s32 v33, $0x0;
	v31 =	vadd.f32 v13, v15;
	v4 =	vmul.f32 $5.000000000e-01, v34  }
0x9b: {  	v11 =	vsel vm13, $0x0, v11;
	v8 =	vand.u32 $0x7FFFFFFF, v8;
	v5 =	vand.u32 $0x7FFFFFFF, v35  }
0x9c: {  	v36 =	vadd.f32 $-5.000000000e-01, v34;
	v37 =	vmul.f32 $5.000000000e-01, v5;
	v4 =	vmul.f32 v4, v34  }
0x9d: {  	v39 =	vld [tilespmem:$0x8840];
	v9 =	vadd.f32 v11, v31;
	v41 =	vmul.f32 $5.000000000e-01, v8;
	vm3 =	vlt.f32 v34, $1.000000000e+00  }
0x9e: {  	v42 =	vld [tilespmem:$0x110C0];
	v38 =	vadd.f32 $-5.000000000e-01, v5;
	v40 =	vmul.f32 v37, v5;
	v4 =	vsel vm3, v4, v36  }
0x9f: {  	v45 =	vld [tilespmem:$0x8850];
	v43 =	vadd.f32 $-5.000000000e-01, v8;
	vm6 =	vlt.f32 v5, $1.000000000e+00;
	v4 =	vsel vm15, $0x0, v4  }
0xa0: {  	v49 =	vld [tilespmem:$0x15528];
	v44 =	vmul.f32 v41, v8;
	v5 =	vsel vm6, v40, v38;
	v4 =	vadd.f32 v4, v9  }
0xa1: {  	v47 =	vld [tilespmem:$0x110D0];
	vm7 =	vlt.f32 v8, $1.000000000e+00;
	v5 =	vsel vm2, $0x0, v5  }
0xa2: {  	v6 =	vand.u32 $0x7FFFFFFF, v6;
	v4 =	vadd.f32 v5, v4;
	v5 =	vsel vm7, v44, v43  }
0xa3: {  	v50 =	vld [tilespmem:$0x8860];
	vm9 =	veq.s32 v32, $0x0;
	v46 =	vmul.f32 $5.000000000e-01, v6;
	v5 =	vsel vm14, $0x0, v5  }
0xa4: {  	v48 =	vadd.f32 $-5.000000000e-01, v6;
	vm8 =	vlt.f32 v6, $1.000000000e+00;
	v4 =	vadd.f32 v5, v4;
	v5 =	vld [tilespmem:$0x110E0]  }
0xa5: {  	v53 =	vperm.xlane v49, v1;
	v10 =	vmul.f32 v46, v6;
	v12 =	vsub.f32 v39, v42  }
0xa6: {  	v57 =	vperm.xlane v49, v2;
	v61 =	vperm.xlane v49, v3;
	v8 =	vsub.f32 v45, v47  }
0xa7: {  	vm11 =	veq.s32 v53, $0x0;
	v6 =	vsel vm8, v10, v48;
	v51 =	vand.u32 $0x7FFFFFFF, v12  }
0xa8: {  	v6 =	vsel vm9, $0x0, v6;
	v52 =	vmul.f32 $5.000000000e-01, v51;
	v8 =	vand.u32 $0x7FFFFFFF, v8  }
0xa9: {  	v55 =	vadd.f32 $-5.000000000e-01, v51;
	v56 =	vmul.f32 $5.000000000e-01, v8;
	v5 =	vsub.f32 v50, v5  }
0xaa: {  	vm10 =	vlt.f32 v51, $1.000000000e+00;
	v58 =	vadd.f32 $-5.000000000e-01, v8;
	v54 =	vmul.f32 v52, v51  }
0xab: {  	vm12 =	vlt.f32 v8, $1.000000000e+00;
	v10 =	vmul.f32 v56, v8;
	v5 =	vand.u32 $0x7FFFFFFF, v5  }
0xac: {  	v9 =	vsel vm10, v54, v55;
	v4 =	vadd.f32 v6, v4;
	v59 =	vmul.f32 $5.000000000e-01, v5  }
0xad: {  	vm13 =	veq.s32 v57, $0x0;
	v9 =	vsel vm11, $0x0, v9;
	v60 =	vsel vm12, v10, v58  }
0xae: {  	v4 =	vadd.f32 v9, v4;
	v63 =	vadd.f32 $-5.000000000e-01, v5;
	v62 =	vmul.f32 v59, v5  }
0xaf: {  	v9 =	vsel vm13, $0x0, v60;
	vm14 =	vlt.f32 v5, $1.000000000e+00  }
0xb0: {  	vm15 =	veq.s32 v61, $0x0;
	v4 =	vadd.f32 v9, v4;
	v5 =	vsel vm14, v62, v63  }
0xb1: {  	v5 =	vsel vm15, $0x0, v5  }
0xb2: {  	s16 =	sadd.s32 $0x1, s16;
	v4 =	vadd.f32 v5, v4  }
0xb3: {  	p0 =	sne.s32 s16, s10  }
.Ltmp2:
0xb4: {  	[tilespmem:$0x15580] =	vst v4;
	(pc) =	sbr.rel @p0 .LBB2_1-.Ltmp2, $4  }
0xb5: {  	[hbm4b:s9+s2] =	stream.linear.scatter [tilespmem:s15], [sflag:$0x1], $0x80, $0x38;
	[tilespmem:$0x15600] =	vst v63  }
0xb6: {  	_ =	swait.ge [sflag:s11], $0x80  }
0xb7: {  	[sflag:s11] =	ssyncset.done $0x0  }
0xb8: {  	[sflag:s11] =	ssyncadd.s32 $0xFFFFFF80  }
0xb9: {  	_ =	sfence.sel $0x180000  }
0xba: {  	[bflag:$0x0] =	sbarrier.arrive $0xFFFF  }
0xbb: {  	p0 =	sne.s32 s1, $0x0;
	_ =	strace $0x90000047  }
0xbc: {  	s0 =	sadd.s32 @!p0 $0x100000, s0;
	[bflag:$0x2] =	sbarrier.arrive $0xFFFF  }
0xbd: {  	[sflag:s0] =	ssyncadd.tile.s32 @!p0 $0x1;
	_ =	shalt  }
.Lfunc_end2:
_tile_overlayer_lowered:
.L_overlay_start_2:
0xbe: {  	(tag) =	ssettag $0x2  }
0xbf: {  	s0 =	rddreg [dreg:$0x0];
	s2 =	stileid.u32  }
0xc0: {  	s1 =	rddreg [dreg:$0x1];
	p0 =	sne.s32 s2, $0x0  }
0xc1: {  	s3 =	rddreg [dreg:$0x2];
	[bflag:$0x3] =	sbarrier.arrive $0xFFFF;
	s2 =	simm.s32 @!p0 $0x1C01  }
0xc2: {  	[timem:s3], [sflag:s2] =	dma.local @!p0 [hbm:s0], s1  }
0xc3: {  	s0 =	simm.s32 @!p0 $0x1  }
0xc4: {  	_ =	swait.ge @!p0 [sflag:s0], s1  }
0xc5: {  	s1 =	ssub.s32 @!p0 $0x0, s1;
	[sflag:s0] =	ssyncset.done @!p0 $0x0  }
0xc6: {  	[sflag:s0] =	ssyncadd.s32 @!p0 s1  }
0xc7: {  	[bflag:$0x3] =	sbarrier.arrive $0xFFFF  }
0xc8: {  	_ =	shalt  }

</sc_bundles>
